<compile_context>
chip_gen: v7x
topology: tpu7x:2x2x1
jax: 0.10.2.dev20260603
libtpu: 0.0.44.dev20260713+nightly
codegen_flags: <defaults>
</compile_context>

<pallas_src>
import functools

import jax
import jax.numpy as jnp
from jax import lax
from jax.experimental import pallas as pl
import jax.experimental.pallas.tpu as pltpu
from jax.experimental.pallas import tpu_sc as plsc

K_BINS = 1024
WIDTH = 64
TT = 4096
SC_CHUNK = 128
SC_D = 128


def _dist_tile(x_ref, cb_ref, csq_ref):
    xt = x_ref[0]
    cb = cb_ref[...]
    csq = csq_ref[...]
    xsq = jnp.sum(xt * xt, axis=0, keepdims=True)
    mm2 = jax.lax.dot_general(
        cb, -2.0 * xt, (((1,), (0,)), ((), ())),
        preferred_element_type=jnp.float32,
    )
    dist = (xsq + mm2) + csq
    return xt, xsq, dist


def _vq_fast_kernel(x_ref, cb_ref, cbe_ref, csq_ref,
                    xl_ref, cnt_ref, fit_ref, sum_ref, sq_ref):
    cbe = cbe_ref[...]
    xt, xsq, dist = _dist_tile(x_ref, cb_ref, csq_ref)

    minval = jnp.min(dist, axis=0, keepdims=True)
    onehot = (dist == minval).astype(jnp.bfloat16)

    res = jax.lax.dot_general(
        cbe, onehot, (((0,), (0,)), ((), ())),
        preferred_element_type=jnp.float32,
    )
    idx = (res[0] + res[1]).astype(jnp.int32)

    xl_ref[0, 0, :] = idx
    cnt_ref[0, 0, :] = res[2]

    fit_ref[...] = jnp.sum(minval).reshape(1, 1, 1)
    sum_ref[...] = jnp.sum(xt).reshape(1, 1, 1)
    sq_ref[...] = jnp.sum(xsq).reshape(1, 1, 1)


def _vq_exact_kernel(x_ref, cb_ref, cbe_ref, csq_ref, xl_ref):
    del cbe_ref
    _, _, dist = _dist_tile(x_ref, cb_ref, csq_ref)
    minval = jnp.min(dist, axis=0, keepdims=True)
    kiota = jax.lax.broadcasted_iota(jnp.int32, dist.shape, 0)
    idx = jnp.min(
        jnp.where(dist == minval, kiota, K_BINS), axis=0
    )
    xl_ref[0, 0, :] = idx


def _sc_gather(codebook, x_l_flat, n_tokens):
    info = plsc.get_sparse_core_info()
    nw = info.num_cores * info.num_subcores
    b_per_w = n_tokens // nw
    n_chunks = b_per_w // SC_CHUNK
    mesh = plsc.VectorSubcoreMesh(core_axis_name="c", subcore_axis_name="s")

    @functools.partial(
        pl.kernel, mesh=mesh,
        out_type=jax.ShapeDtypeStruct((n_tokens, SC_D), jnp.float32),
        scratch_types=[
            pltpu.VMEM((SC_CHUNK,), jnp.int32),
            pltpu.VMEM((SC_CHUNK, SC_D), jnp.float32),
            pltpu.SemaphoreType.DMA,
        ],
    )
    def k(table_hbm, idx_hbm, out_hbm, idx_v, rows_v, sem):
        wid = lax.axis_index("s") * info.num_cores + lax.axis_index("c")
        base = wid * b_per_w
        for c in range(n_chunks):
            off = base + c * SC_CHUNK
            pltpu.sync_copy(idx_hbm.at[pl.ds(off, SC_CHUNK)], idx_v)
            pltpu.async_copy(table_hbm.at[idx_v], rows_v, sem).wait()
            pltpu.sync_copy(rows_v, out_hbm.at[pl.ds(off, SC_CHUNK)])

    return k(codebook, x_l_flat)


def kernel(x, codebook):
    N, width, T = x.shape
    G = T // TT
    numel = float(N * T * width)

    ones_k = jnp.ones((K_BINS, 1), jnp.float32)
    k_int = jnp.arange(K_BINS, dtype=jnp.int32)[:, None]
    k_hi = (k_int & ~3).astype(jnp.float32)
    k_lo = (k_int & 3).astype(jnp.float32)
    cb_ext = jnp.concatenate(
        [k_hi, k_lo, ones_k], axis=1
    ).astype(jnp.bfloat16)
    csq_col = jnp.sum(codebook.T ** 2, axis=0)[:, None]

    grid = (N, G)
    in_specs = [
        pl.BlockSpec((1, width, TT), lambda i, j: (i, 0, j)),
        pl.BlockSpec((K_BINS, width), lambda i, j: (0, 0)),
        pl.BlockSpec((K_BINS, 3), lambda i, j: (0, 0)),
        pl.BlockSpec((K_BINS, 1), lambda i, j: (0, 0)),
    ]
    xl_spec = pl.BlockSpec((1, 1, TT), lambda i, j: (i * G + j, 0, 0))
    part_spec = pl.BlockSpec((1, 1, 1), lambda i, j: (i * G + j, 0, 0))
    xl_shape = jax.ShapeDtypeStruct((N * G, 1, TT), jnp.int32)
    part_shape = jax.ShapeDtypeStruct((N * G, 1, 1), jnp.float32)
    cparams = pltpu.CompilerParams(
        dimension_semantics=(pltpu.PARALLEL, pltpu.PARALLEL),
    )

    xl3, cnt3, fit_p, sum_p, sq_p = pl.pallas_call(
        _vq_fast_kernel,
        grid=grid,
        in_specs=in_specs,
        out_specs=(xl_spec,
                   pl.BlockSpec((1, 1, TT), lambda i, j: (i * G + j, 0, 0)),
                   part_spec, part_spec, part_spec),
        out_shape=(xl_shape,
                   jax.ShapeDtypeStruct((N * G, 1, TT), jnp.float32),
                   part_shape, part_shape, part_shape),
        compiler_params=cparams,
    )(x, codebook, cb_ext, csq_col)

    def _exact(_):
        return pl.pallas_call(
            _vq_exact_kernel,
            grid=grid,
            in_specs=in_specs,
            out_specs=(xl_spec,),
            out_shape=(xl_shape,),
            compiler_params=cparams,
        )(x, codebook, cb_ext, csq_col)[0]

    def _fast(_):
        return xl3

    xl3 = jax.lax.cond(jnp.max(cnt3) > 1.5, _exact, _fast, None)

    x_l = xl3.reshape(N, T)
    cb_pad = jnp.concatenate(
        [codebook, jnp.zeros((K_BINS, SC_D - width), jnp.float32)], axis=1)
    xd_flat = _sc_gather(cb_pad, xl3.reshape(N * T), N * T)
    x_d = xd_flat[:, :width].reshape(N, T, width).transpose(0, 2, 1)

    fit_sum = jnp.sum(fit_p)
    s = jnp.sum(sum_p)
    sq = jnp.sum(sq_p)

    fit = fit_sum / (N * T)
    commit_loss = fit_sum / numel
    mean = s / numel
    prenorm = jnp.sqrt(jnp.maximum(sq / numel - mean * mean, 0.0))
    return x_d, commit_loss, fit, prenorm, x_l

# --- scband reference (transcript-rebuilt; emitter-appended) ---
"""Pipeline reference for scband-vqvae-4518305595401 (READ-ONLY COPY).

The authoritative reference and input builder live on the scoring server;
editing this copy changes nothing except your own understanding.
"""

import jax, jax.numpy as jnp
import numpy as np

CODEBOOK_SIZE = 1024
EMB_WIDTH = 64


def setup_inputs(seed: int = 0) -> dict:
    key = jax.random.key(seed)
    k1, k2 = jax.random.split(key)
    x = jax.random.normal(k1, (16, EMB_WIDTH, 4096), dtype=jnp.float32)
    # learned/EMA codebook of the BottleneckBlock: (k_bins, emb_width)
    codebook = jax.random.normal(k2, (CODEBOOK_SIZE, EMB_WIDTH), dtype=jnp.float32)
    return {"x": x, "codebook": codebook}


def reference(x, codebook):
    # encoder = identity (external module, None by default)
    N, width, T = x.shape
    # --- BottleneckBlock.preprocess: (N, width, T) -> (N*T, width) ---
    xf = jnp.transpose(x, (0, 2, 1)).reshape(-1, width)
    prenorm = jnp.linalg.norm(xf - jnp.mean(xf)) / np.sqrt(float(np.prod(xf.shape)))
    # --- quantise: nearest codebook entry by L2 distance ---
    k_t = codebook.T  # (width, k_bins)
    distance = (
        jnp.sum(xf ** 2, axis=-1, keepdims=True)
        - 2.0 * (xf @ k_t)
        + jnp.sum(k_t ** 2, axis=0, keepdims=True)
    )  # (N*T, k_bins)
    x_l = jnp.argmin(distance, axis=-1)  # (N*T,)
    fit = jnp.mean(jnp.min(distance, axis=-1))
    # --- dequantise: embedding gather ---
    x_d = jnp.take(codebook, x_l, axis=0)  # (N*T, width)
    # --- commit loss ---
    commit_loss = (
        jnp.linalg.norm(jax.lax.stop_gradient(x_d) - xf) ** 2
        / float(np.prod(xf.shape))
    )
    # --- straight-through estimator ---
    x_d = xf + jax.lax.stop_gradient(x_d - xf)
    # --- postprocess: (N*T, width) -> (N, width, T) ---
    x_d = jnp.transpose(x_d.reshape(N, T, width), (0, 2, 1))
    x_l_out = x_l.reshape(N, T)
    # decoder = identity; VQVAE.forward returns (decoder(x_d), commit_loss, metric)
    return x_d, commit_loss, fit, prenorm, x_l_out

if __name__ == "__main__":
    import jax
    _d = setup_inputs()
    print(jax.jit(kernel)(*tuple(_d.values())))

</pallas_src>

<mosaic_0001>
#map = affine_map<(d0, d1) -> (0, 0)>
#map1 = affine_map<(d0, d1) -> (0)>
module attributes {stable_mosaic.version = 14 : i64} {
  func.func @k(%arg0: i32, %arg1: i32, %arg2: memref<1024x128xf32, #tpu.memory_space<hbm>>, %arg3: memref<65536xi32, #tpu.memory_space<hbm>>, %arg4: memref<65536x128xf32, #tpu.memory_space<hbm>>, %arg5: memref<128xi32, #tpu.memory_space<vmem>>, %arg6: memref<128x128xf32, #tpu.memory_space<vmem>>, %arg7: memref<!tpu.dma_semaphore, #tpu.memory_space<semaphore_mem>>) attributes {dimension_semantics = [#tpu.dimension_semantics<core_parallel>, #tpu.dimension_semantics<subcore_parallel>], iteration_bounds = array<i64: 2, 16>, scalar_prefetch = 0 : i64, scratch_operands = 3 : i64, tpu.core_type = #tpu.core_type<sc_vector_subcore>, window_params = [{transform_indices = #map}, {transform_indices = #map1}, {transform_indices = #map}]} {
    %mul3A = arith.constant 2 : i32
    %mul3A_0 = arith.muli %arg1, %mul3A : i32
    %add3A = arith.addi %mul3A_0, %arg0 : i32
    %mul3A_1 = arith.constant 2048 : i32
    %mul3A_2 = arith.muli %add3A, %mul3A_1 : i32
    %add3A_3 = arith.constant 0 : i32
    %add3A_4 = arith.addi %mul3A_2, %add3A_3 : i32
    "tpu.region"() ({
      %run_scoped3A = tpu.sem_alloc : memref<!tpu.dma_semaphore, #tpu.memory_space<semaphore_mem>>
      %dma_start3A_129 = tpu.memref_slice %arg3[%add3A_4] : memref<65536xi32, #tpu.memory_space<hbm>> -> memref<128xi32, #tpu.memory_space<hbm>>
      %dma_start3A_130 = tpu.memref_slice %arg3[%add3A_4] : memref<65536xi32, #tpu.memory_space<hbm>> -> memref<128xi32, #tpu.memory_space<hbm>>
      tpu.enqueue_dma source(%dma_start3A_130 : memref<128xi32, #tpu.memory_space<hbm>>) target(%arg5 : memref<128xi32, #tpu.memory_space<vmem>>) target_semaphore(%run_scoped3A : memref<!tpu.dma_semaphore, #tpu.memory_space<semaphore_mem>>)
      %dma_wait3A_131 = tpu.memref_slice %arg3[%add3A_4] : memref<65536xi32, #tpu.memory_space<hbm>> -> memref<128xi32, #tpu.memory_space<hbm>>
      %dma_wait3A_132 = tpu.memref_slice %arg3[%add3A_4] : memref<65536xi32, #tpu.memory_space<hbm>> -> memref<128xi32, #tpu.memory_space<hbm>>
      tpu.wait_dma2 semaphore(%run_scoped3A : memref<!tpu.dma_semaphore, #tpu.memory_space<semaphore_mem>>) src(%dma_wait3A_132 : memref<128xi32, #tpu.memory_space<hbm>>) dst(%arg5 : memref<128xi32, #tpu.memory_space<vmem>>)
      tpu.yield
    }) : () -> ()
    %dma_start3A = arith.constant 0 : i32
    %dma_start3A_5 = arith.constant 0 : i32
    %dma_start3A_6 = tpu.memref_slice %arg2[%dma_start3A, %dma_start3A_5] : memref<1024x128xf32, #tpu.memory_space<hbm>> -> memref<1024x128xf32, #tpu.memory_space<hbm>>
    tpu.enqueue_indirect_dma source(%dma_start3A_6 : memref<1024x128xf32, #tpu.memory_space<hbm>>) target(%arg6 : memref<128x128xf32, #tpu.memory_space<vmem>>) offsets(%arg5 : memref<128xi32, #tpu.memory_space<vmem>>) semaphore(%arg7 : memref<!tpu.dma_semaphore, #tpu.memory_space<semaphore_mem>>)
    %dma_wait3A = arith.constant 0 : i32
    %dma_wait3A_7 = arith.constant 0 : i32
    %dma_wait3A_8 = tpu.memref_slice %arg2[%dma_wait3A, %dma_wait3A_7] : memref<1024x128xf32, #tpu.memory_space<hbm>> -> memref<1024x128xf32, #tpu.memory_space<hbm>>
    tpu.wait_indirect_dma semaphore(%arg7 : memref<!tpu.dma_semaphore, #tpu.memory_space<semaphore_mem>>) src(%dma_wait3A_8 : memref<1024x128xf32, #tpu.memory_space<hbm>>) dst(%arg6 : memref<128x128xf32, #tpu.memory_space<vmem>>)
    "tpu.region"() ({
      %run_scoped3A = tpu.sem_alloc : memref<!tpu.dma_semaphore, #tpu.memory_space<semaphore_mem>>
      %dma_start3A_129 = arith.constant 0 : i32
      %dma_start3A_130 = tpu.memref_slice %arg4[%add3A_4, %dma_start3A_129] : memref<65536x128xf32, #tpu.memory_space<hbm>> -> memref<128x128xf32, #tpu.memory_space<hbm>>
      %dma_start3A_131 = arith.constant 0 : i32
      %dma_start3A_132 = tpu.memref_slice %arg4[%add3A_4, %dma_start3A_131] : memref<65536x128xf32, #tpu.memory_space<hbm>> -> memref<128x128xf32, #tpu.memory_space<hbm>>
      tpu.enqueue_dma source(%arg6 : memref<128x128xf32, #tpu.memory_space<vmem>>) target(%dma_start3A_132 : memref<128x128xf32, #tpu.memory_space<hbm>>) target_semaphore(%run_scoped3A : memref<!tpu.dma_semaphore, #tpu.memory_space<semaphore_mem>>)
      %dma_wait3A_133 = arith.constant 0 : i32
      %dma_wait3A_134 = tpu.memref_slice %arg4[%add3A_4, %dma_wait3A_133] : memref<65536x128xf32, #tpu.memory_space<hbm>> -> memref<128x128xf32, #tpu.memory_space<hbm>>
      %dma_wait3A_135 = arith.constant 0 : i32
      %dma_wait3A_136 = tpu.memref_slice %arg4[%add3A_4, %dma_wait3A_135] : memref<65536x128xf32, #tpu.memory_space<hbm>> -> memref<128x128xf32, #tpu.memory_space<hbm>>
      tpu.wait_dma2 semaphore(%run_scoped3A : memref<!tpu.dma_semaphore, #tpu.memory_space<semaphore_mem>>) src(%arg6 : memref<128x128xf32, #tpu.memory_space<vmem>>) dst(%dma_wait3A_136 : memref<128x128xf32, #tpu.memory_space<hbm>>)
      tpu.yield
    }) : () -> ()
    %add3A_9 = arith.constant 128 : i32
    %add3A_10 = arith.addi %mul3A_2, %add3A_9 : i32
    "tpu.region"() ({
      %run_scoped3A = tpu.sem_alloc : memref<!tpu.dma_semaphore, #tpu.memory_space<semaphore_mem>>
      %dma_start3A_129 = tpu.memref_slice %arg3[%add3A_10] : memref<65536xi32, #tpu.memory_space<hbm>> -> memref<128xi32, #tpu.memory_space<hbm>>
      %dma_start3A_130 = tpu.memref_slice %arg3[%add3A_10] : memref<65536xi32, #tpu.memory_space<hbm>> -> memref<128xi32, #tpu.memory_space<hbm>>
      tpu.enqueue_dma source(%dma_start3A_130 : memref<128xi32, #tpu.memory_space<hbm>>) target(%arg5 : memref<128xi32, #tpu.memory_space<vmem>>) target_semaphore(%run_scoped3A : memref<!tpu.dma_semaphore, #tpu.memory_space<semaphore_mem>>)
      %dma_wait3A_131 = tpu.memref_slice %arg3[%add3A_10] : memref<65536xi32, #tpu.memory_space<hbm>> -> memref<128xi32, #tpu.memory_space<hbm>>
      %dma_wait3A_132 = tpu.memref_slice %arg3[%add3A_10] : memref<65536xi32, #tpu.memory_space<hbm>> -> memref<128xi32, #tpu.memory_space<hbm>>
      tpu.wait_dma2 semaphore(%run_scoped3A : memref<!tpu.dma_semaphore, #tpu.memory_space<semaphore_mem>>) src(%dma_wait3A_132 : memref<128xi32, #tpu.memory_space<hbm>>) dst(%arg5 : memref<128xi32, #tpu.memory_space<vmem>>)
      tpu.yield
    }) : () -> ()
    %dma_start3A_11 = arith.constant 0 : i32
    %dma_start3A_12 = arith.constant 0 : i32
    %dma_start3A_13 = tpu.memref_slice %arg2[%dma_start3A_11, %dma_start3A_12] : memref<1024x128xf32, #tpu.memory_space<hbm>> -> memref<1024x128xf32, #tpu.memory_space<hbm>>
    tpu.enqueue_indirect_dma source(%dma_start3A_13 : memref<1024x128xf32, #tpu.memory_space<hbm>>) target(%arg6 : memref<128x128xf32, #tpu.memory_space<vmem>>) offsets(%arg5 : memref<128xi32, #tpu.memory_space<vmem>>) semaphore(%arg7 : memref<!tpu.dma_semaphore, #tpu.memory_space<semaphore_mem>>)
    %dma_wait3A_14 = arith.constant 0 : i32
    %dma_wait3A_15 = arith.constant 0 : i32
    %dma_wait3A_16 = tpu.memref_slice %arg2[%dma_wait3A_14, %dma_wait3A_15] : memref<1024x128xf32, #tpu.memory_space<hbm>> -> memref<1024x128xf32, #tpu.memory_space<hbm>>
    tpu.wait_indirect_dma semaphore(%arg7 : memref<!tpu.dma_semaphore, #tpu.memory_space<semaphore_mem>>) src(%dma_wait3A_16 : memref<1024x128xf32, #tpu.memory_space<hbm>>) dst(%arg6 : memref<128x128xf32, #tpu.memory_space<vmem>>)
    "tpu.region"() ({
      %run_scoped3A = tpu.sem_alloc : memref<!tpu.dma_semaphore, #tpu.memory_space<semaphore_mem>>
      %dma_start3A_129 = arith.constant 0 : i32
      %dma_start3A_130 = tpu.memref_slice %arg4[%add3A_10, %dma_start3A_129] : memref<65536x128xf32, #tpu.memory_space<hbm>> -> memref<128x128xf32, #tpu.memory_space<hbm>>
      %dma_start3A_131 = arith.constant 0 : i32
      %dma_start3A_132 = tpu.memref_slice %arg4[%add3A_10, %dma_start3A_131] : memref<65536x128xf32, #tpu.memory_space<hbm>> -> memref<128x128xf32, #tpu.memory_space<hbm>>
      tpu.enqueue_dma source(%arg6 : memref<128x128xf32, #tpu.memory_space<vmem>>) target(%dma_start3A_132 : memref<128x128xf32, #tpu.memory_space<hbm>>) target_semaphore(%run_scoped3A : memref<!tpu.dma_semaphore, #tpu.memory_space<semaphore_mem>>)
      %dma_wait3A_133 = arith.constant 0 : i32
      %dma_wait3A_134 = tpu.memref_slice %arg4[%add3A_10, %dma_wait3A_133] : memref<65536x128xf32, #tpu.memory_space<hbm>> -> memref<128x128xf32, #tpu.memory_space<hbm>>
      %dma_wait3A_135 = arith.constant 0 : i32
      %dma_wait3A_136 = tpu.memref_slice %arg4[%add3A_10, %dma_wait3A_135] : memref<65536x128xf32, #tpu.memory_space<hbm>> -> memref<128x128xf32, #tpu.memory_space<hbm>>
      tpu.wait_dma2 semaphore(%run_scoped3A : memref<!tpu.dma_semaphore, #tpu.memory_space<semaphore_mem>>) src(%arg6 : memref<128x128xf32, #tpu.memory_space<vmem>>) dst(%dma_wait3A_136 : memref<128x128xf32, #tpu.memory_space<hbm>>)
      tpu.yield
    }) : () -> ()
    %add3A_17 = arith.constant 256 : i32
    %add3A_18 = arith.addi %mul3A_2, %add3A_17 : i32
    "tpu.region"() ({
      %run_scoped3A = tpu.sem_alloc : memref<!tpu.dma_semaphore, #tpu.memory_space<semaphore_mem>>
      %dma_start3A_129 = tpu.memref_slice %arg3[%add3A_18] : memref<65536xi32, #tpu.memory_space<hbm>> -> memref<128xi32, #tpu.memory_space<hbm>>
      %dma_start3A_130 = tpu.memref_slice %arg3[%add3A_18] : memref<65536xi32, #tpu.memory_space<hbm>> -> memref<128xi32, #tpu.memory_space<hbm>>
      tpu.enqueue_dma source(%dma_start3A_130 : memref<128xi32, #tpu.memory_space<hbm>>) target(%arg5 : memref<128xi32, #tpu.memory_space<vmem>>) target_semaphore(%run_scoped3A : memref<!tpu.dma_semaphore, #tpu.memory_space<semaphore_mem>>)
      %dma_wait3A_131 = tpu.memref_slice %arg3[%add3A_18] : memref<65536xi32, #tpu.memory_space<hbm>> -> memref<128xi32, #tpu.memory_space<hbm>>
      %dma_wait3A_132 = tpu.memref_slice %arg3[%add3A_18] : memref<65536xi32, #tpu.memory_space<hbm>> -> memref<128xi32, #tpu.memory_space<hbm>>
      tpu.wait_dma2 semaphore(%run_scoped3A : memref<!tpu.dma_semaphore, #tpu.memory_space<semaphore_mem>>) src(%dma_wait3A_132 : memref<128xi32, #tpu.memory_space<hbm>>) dst(%arg5 : memref<128xi32, #tpu.memory_space<vmem>>)
      tpu.yield
    }) : () -> ()
    %dma_start3A_19 = arith.constant 0 : i32
    %dma_start3A_20 = arith.constant 0 : i32
    %dma_start3A_21 = tpu.memref_slice %arg2[%dma_start3A_19, %dma_start3A_20] : memref<1024x128xf32, #tpu.memory_space<hbm>> -> memref<1024x128xf32, #tpu.memory_space<hbm>>
    tpu.enqueue_indirect_dma source(%dma_start3A_21 : memref<1024x128xf32, #tpu.memory_space<hbm>>) target(%arg6 : memref<128x128xf32, #tpu.memory_space<vmem>>) offsets(%arg5 : memref<128xi32, #tpu.memory_space<vmem>>) semaphore(%arg7 : memref<!tpu.dma_semaphore, #tpu.memory_space<semaphore_mem>>)
    %dma_wait3A_22 = arith.constant 0 : i32
    %dma_wait3A_23 = arith.constant 0 : i32
    %dma_wait3A_24 = tpu.memref_slice %arg2[%dma_wait3A_22, %dma_wait3A_23] : memref<1024x128xf32, #tpu.memory_space<hbm>> -> memref<1024x128xf32, #tpu.memory_space<hbm>>
    tpu.wait_indirect_dma semaphore(%arg7 : memref<!tpu.dma_semaphore, #tpu.memory_space<semaphore_mem>>) src(%dma_wait3A_24 : memref<1024x128xf32, #tpu.memory_space<hbm>>) dst(%arg6 : memref<128x128xf32, #tpu.memory_space<vmem>>)
    "tpu.region"() ({
      %run_scoped3A = tpu.sem_alloc : memref<!tpu.dma_semaphore, #tpu.memory_space<semaphore_mem>>
      %dma_start3A_129 = arith.constant 0 : i32
      %dma_start3A_130 = tpu.memref_slice %arg4[%add3A_18, %dma_start3A_129] : memref<65536x128xf32, #tpu.memory_space<hbm>> -> memref<128x128xf32, #tpu.memory_space<hbm>>
      %dma_start3A_131 = arith.constant 0 : i32
      %dma_start3A_132 = tpu.memref_slice %arg4[%add3A_18, %dma_start3A_131] : memref<65536x128xf32, #tpu.memory_space<hbm>> -> memref<128x128xf32, #tpu.memory_space<hbm>>
      tpu.enqueue_dma source(%arg6 : memref<128x128xf32, #tpu.memory_space<vmem>>) target(%dma_start3A_132 : memref<128x128xf32, #tpu.memory_space<hbm>>) target_semaphore(%run_scoped3A : memref<!tpu.dma_semaphore, #tpu.memory_space<semaphore_mem>>)
      %dma_wait3A_133 = arith.constant 0 : i32
      %dma_wait3A_134 = tpu.memref_slice %arg4[%add3A_18, %dma_wait3A_133] : memref<65536x128xf32, #tpu.memory_space<hbm>> -> memref<128x128xf32, #tpu.memory_space<hbm>>
      %dma_wait3A_135 = arith.constant 0 : i32
      %dma_wait3A_136 = tpu.memref_slice %arg4[%add3A_18, %dma_wait3A_135] : memref<65536x128xf32, #tpu.memory_space<hbm>> -> memref<128x128xf32, #tpu.memory_space<hbm>>
      tpu.wait_dma2 semaphore(%run_scoped3A : memref<!tpu.dma_semaphore, #tpu.memory_space<semaphore_mem>>) src(%arg6 : memref<128x128xf32, #tpu.memory_space<vmem>>) dst(%dma_wait3A_136 : memref<128x128xf32, #tpu.memory_space<hbm>>)
      tpu.yield
    }) : () -> ()
    %add3A_25 = arith.constant 384 : i32
    %add3A_26 = arith.addi %mul3A_2, %add3A_25 : i32
    "tpu.region"() ({
      %run_scoped3A = tpu.sem_alloc : memref<!tpu.dma_semaphore, #tpu.memory_space<semaphore_mem>>
      %dma_start3A_129 = tpu.memref_slice %arg3[%add3A_26] : memref<65536xi32, #tpu.memory_space<hbm>> -> memref<128xi32, #tpu.memory_space<hbm>>
      %dma_start3A_130 = tpu.memref_slice %arg3[%add3A_26] : memref<65536xi32, #tpu.memory_space<hbm>> -> memref<128xi32, #tpu.memory_space<hbm>>
      tpu.enqueue_dma source(%dma_start3A_130 : memref<128xi32, #tpu.memory_space<hbm>>) target(%arg5 : memref<128xi32, #tpu.memory_space<vmem>>) target_semaphore(%run_scoped3A : memref<!tpu.dma_semaphore, #tpu.memory_space<semaphore_mem>>)
      %dma_wait3A_131 = tpu.memref_slice %arg3[%add3A_26] : memref<65536xi32, #tpu.memory_space<hbm>> -> memref<128xi32, #tpu.memory_space<hbm>>
      %dma_wait3A_132 = tpu.memref_slice %arg3[%add3A_26] : memref<65536xi32, #tpu.memory_space<hbm>> -> memref<128xi32, #tpu.memory_space<hbm>>
      tpu.wait_dma2 semaphore(%run_scoped3A : memref<!tpu.dma_semaphore, #tpu.memory_space<semaphore_mem>>) src(%dma_wait3A_132 : memref<128xi32, #tpu.memory_space<hbm>>) dst(%arg5 : memref<128xi32, #tpu.memory_space<vmem>>)
      tpu.yield
    }) : () -> ()
    %dma_start3A_27 = arith.constant 0 : i32
    %dma_start3A_28 = arith.constant 0 : i32
    %dma_start3A_29 = tpu.memref_slice %arg2[%dma_start3A_27, %dma_start3A_28] : memref<1024x128xf32, #tpu.memory_space<hbm>> -> memref<1024x128xf32, #tpu.memory_space<hbm>>
    tpu.enqueue_indirect_dma source(%dma_start3A_29 : memref<1024x128xf32, #tpu.memory_space<hbm>>) target(%arg6 : memref<128x128xf32, #tpu.memory_space<vmem>>) offsets(%arg5 : memref<128xi32, #tpu.memory_space<vmem>>) semaphore(%arg7 : memref<!tpu.dma_semaphore, #tpu.memory_space<semaphore_mem>>)
    %dma_wait3A_30 = arith.constant 0 : i32
    %dma_wait3A_31 = arith.constant 0 : i32
    %dma_wait3A_32 = tpu.memref_slice %arg2[%dma_wait3A_30, %dma_wait3A_31] : memref<1024x128xf32, #tpu.memory_space<hbm>> -> memref<1024x128xf32, #tpu.memory_space<hbm>>
    tpu.wait_indirect_dma semaphore(%arg7 : memref<!tpu.dma_semaphore, #tpu.memory_space<semaphore_mem>>) src(%dma_wait3A_32 : memref<1024x128xf32, #tpu.memory_space<hbm>>) dst(%arg6 : memref<128x128xf32, #tpu.memory_space<vmem>>)
    "tpu.region"() ({
      %run_scoped3A = tpu.sem_alloc : memref<!tpu.dma_semaphore, #tpu.memory_space<semaphore_mem>>
      %dma_start3A_129 = arith.constant 0 : i32
      %dma_start3A_130 = tpu.memref_slice %arg4[%add3A_26, %dma_start3A_129] : memref<65536x128xf32, #tpu.memory_space<hbm>> -> memref<128x128xf32, #tpu.memory_space<hbm>>
      %dma_start3A_131 = arith.constant 0 : i32
      %dma_start3A_132 = tpu.memref_slice %arg4[%add3A_26, %dma_start3A_131] : memref<65536x128xf32, #tpu.memory_space<hbm>> -> memref<128x128xf32, #tpu.memory_space<hbm>>
      tpu.enqueue_dma source(%arg6 : memref<128x128xf32, #tpu.memory_space<vmem>>) target(%dma_start3A_132 : memref<128x128xf32, #tpu.memory_space<hbm>>) target_semaphore(%run_scoped3A : memref<!tpu.dma_semaphore, #tpu.memory_space<semaphore_mem>>)
      %dma_wait3A_133 = arith.constant 0 : i32
      %dma_wait3A_134 = tpu.memref_slice %arg4[%add3A_26, %dma_wait3A_133] : memref<65536x128xf32, #tpu.memory_space<hbm>> -> memref<128x128xf32, #tpu.memory_space<hbm>>
      %dma_wait3A_135 = arith.constant 0 : i32
      %dma_wait3A_136 = tpu.memref_slice %arg4[%add3A_26, %dma_wait3A_135] : memref<65536x128xf32, #tpu.memory_space<hbm>> -> memref<128x128xf32, #tpu.memory_space<hbm>>
      tpu.wait_dma2 semaphore(%run_scoped3A : memref<!tpu.dma_semaphore, #tpu.memory_space<semaphore_mem>>) src(%arg6 : memref<128x128xf32, #tpu.memory_space<vmem>>) dst(%dma_wait3A_136 : memref<128x128xf32, #tpu.memory_space<hbm>>)
      tpu.yield
    }) : () -> ()
    %add3A_33 = arith.constant 512 : i32
    %add3A_34 = arith.addi %mul3A_2, %add3A_33 : i32
    "tpu.region"() ({
      %run_scoped3A = tpu.sem_alloc : memref<!tpu.dma_semaphore, #tpu.memory_space<semaphore_mem>>
      %dma_start3A_129 = tpu.memref_slice %arg3[%add3A_34] : memref<65536xi32, #tpu.memory_space<hbm>> -> memref<128xi32, #tpu.memory_space<hbm>>
      %dma_start3A_130 = tpu.memref_slice %arg3[%add3A_34] : memref<65536xi32, #tpu.memory_space<hbm>> -> memref<128xi32, #tpu.memory_space<hbm>>
      tpu.enqueue_dma source(%dma_start3A_130 : memref<128xi32, #tpu.memory_space<hbm>>) target(%arg5 : memref<128xi32, #tpu.memory_space<vmem>>) target_semaphore(%run_scoped3A : memref<!tpu.dma_semaphore, #tpu.memory_space<semaphore_mem>>)
      %dma_wait3A_131 = tpu.memref_slice %arg3[%add3A_34] : memref<65536xi32, #tpu.memory_space<hbm>> -> memref<128xi32, #tpu.memory_space<hbm>>
      %dma_wait3A_132 = tpu.memref_slice %arg3[%add3A_34] : memref<65536xi32, #tpu.memory_space<hbm>> -> memref<128xi32, #tpu.memory_space<hbm>>
      tpu.wait_dma2 semaphore(%run_scoped3A : memref<!tpu.dma_semaphore, #tpu.memory_space<semaphore_mem>>) src(%dma_wait3A_132 : memref<128xi32, #tpu.memory_space<hbm>>) dst(%arg5 : memref<128xi32, #tpu.memory_space<vmem>>)
      tpu.yield
    }) : () -> ()
    %dma_start3A_35 = arith.constant 0 : i32
    %dma_start3A_36 = arith.constant 0 : i32
    %dma_start3A_37 = tpu.memref_slice %arg2[%dma_start3A_35, %dma_start3A_36] : memref<1024x128xf32, #tpu.memory_space<hbm>> -> memref<1024x128xf32, #tpu.memory_space<hbm>>
    tpu.enqueue_indirect_dma source(%dma_start3A_37 : memref<1024x128xf32, #tpu.memory_space<hbm>>) target(%arg6 : memref<128x128xf32, #tpu.memory_space<vmem>>) offsets(%arg5 : memref<128xi32, #tpu.memory_space<vmem>>) semaphore(%arg7 : memref<!tpu.dma_semaphore, #tpu.memory_space<semaphore_mem>>)
    %dma_wait3A_38 = arith.constant 0 : i32
    %dma_wait3A_39 = arith.constant 0 : i32
    %dma_wait3A_40 = tpu.memref_slice %arg2[%dma_wait3A_38, %dma_wait3A_39] : memref<1024x128xf32, #tpu.memory_space<hbm>> -> memref<1024x128xf32, #tpu.memory_space<hbm>>
    tpu.wait_indirect_dma semaphore(%arg7 : memref<!tpu.dma_semaphore, #tpu.memory_space<semaphore_mem>>) src(%dma_wait3A_40 : memref<1024x128xf32, #tpu.memory_space<hbm>>) dst(%arg6 : memref<128x128xf32, #tpu.memory_space<vmem>>)
    "tpu.region"() ({
      %run_scoped3A = tpu.sem_alloc : memref<!tpu.dma_semaphore, #tpu.memory_space<semaphore_mem>>
      %dma_start3A_129 = arith.constant 0 : i32
      %dma_start3A_130 = tpu.memref_slice %arg4[%add3A_34, %dma_start3A_129] : memref<65536x128xf32, #tpu.memory_space<hbm>> -> memref<128x128xf32, #tpu.memory_space<hbm>>
      %dma_start3A_131 = arith.constant 0 : i32
      %dma_start3A_132 = tpu.memref_slice %arg4[%add3A_34, %dma_start3A_131] : memref<65536x128xf32, #tpu.memory_space<hbm>> -> memref<128x128xf32, #tpu.memory_space<hbm>>
      tpu.enqueue_dma source(%arg6 : memref<128x128xf32, #tpu.memory_space<vmem>>) target(%dma_start3A_132 : memref<128x128xf32, #tpu.memory_space<hbm>>) target_semaphore(%run_scoped3A : memref<!tpu.dma_semaphore, #tpu.memory_space<semaphore_mem>>)
      %dma_wait3A_133 = arith.constant 0 : i32
      %dma_wait3A_134 = tpu.memref_slice %arg4[%add3A_34, %dma_wait3A_133] : memref<65536x128xf32, #tpu.memory_space<hbm>> -> memref<128x128xf32, #tpu.memory_space<hbm>>
      %dma_wait3A_135 = arith.constant 0 : i32
      %dma_wait3A_136 = tpu.memref_slice %arg4[%add3A_34, %dma_wait3A_135] : memref<65536x128xf32, #tpu.memory_space<hbm>> -> memref<128x128xf32, #tpu.memory_space<hbm>>
      tpu.wait_dma2 semaphore(%run_scoped3A : memref<!tpu.dma_semaphore, #tpu.memory_space<semaphore_mem>>) src(%arg6 : memref<128x128xf32, #tpu.memory_space<vmem>>) dst(%dma_wait3A_136 : memref<128x128xf32, #tpu.memory_space<hbm>>)
      tpu.yield
    }) : () -> ()
    %add3A_41 = arith.constant 640 : i32
    %add3A_42 = arith.addi %mul3A_2, %add3A_41 : i32
    "tpu.region"() ({
      %run_scoped3A = tpu.sem_alloc : memref<!tpu.dma_semaphore, #tpu.memory_space<semaphore_mem>>
      %dma_start3A_129 = tpu.memref_slice %arg3[%add3A_42] : memref<65536xi32, #tpu.memory_space<hbm>> -> memref<128xi32, #tpu.memory_space<hbm>>
      %dma_start3A_130 = tpu.memref_slice %arg3[%add3A_42] : memref<65536xi32, #tpu.memory_space<hbm>> -> memref<128xi32, #tpu.memory_space<hbm>>
      tpu.enqueue_dma source(%dma_start3A_130 : memref<128xi32, #tpu.memory_space<hbm>>) target(%arg5 : memref<128xi32, #tpu.memory_space<vmem>>) target_semaphore(%run_scoped3A : memref<!tpu.dma_semaphore, #tpu.memory_space<semaphore_mem>>)
      %dma_wait3A_131 = tpu.memref_slice %arg3[%add3A_42] : memref<65536xi32, #tpu.memory_space<hbm>> -> memref<128xi32, #tpu.memory_space<hbm>>
      %dma_wait3A_132 = tpu.memref_slice %arg3[%add3A_42] : memref<65536xi32, #tpu.memory_space<hbm>> -> memref<128xi32, #tpu.memory_space<hbm>>
      tpu.wait_dma2 semaphore(%run_scoped3A : memref<!tpu.dma_semaphore, #tpu.memory_space<semaphore_mem>>) src(%dma_wait3A_132 : memref<128xi32, #tpu.memory_space<hbm>>) dst(%arg5 : memref<128xi32, #tpu.memory_space<vmem>>)
      tpu.yield
    }) : () -> ()
    %dma_start3A_43 = arith.constant 0 : i32
    %dma_start3A_44 = arith.constant 0 : i32
    %dma_start3A_45 = tpu.memref_slice %arg2[%dma_start3A_43, %dma_start3A_44] : memref<1024x128xf32, #tpu.memory_space<hbm>> -> memref<1024x128xf32, #tpu.memory_space<hbm>>
    tpu.enqueue_indirect_dma source(%dma_start3A_45 : memref<1024x128xf32, #tpu.memory_space<hbm>>) target(%arg6 : memref<128x128xf32, #tpu.memory_space<vmem>>) offsets(%arg5 : memref<128xi32, #tpu.memory_space<vmem>>) semaphore(%arg7 : memref<!tpu.dma_semaphore, #tpu.memory_space<semaphore_mem>>)
    %dma_wait3A_46 = arith.constant 0 : i32
    %dma_wait3A_47 = arith.constant 0 : i32
    %dma_wait3A_48 = tpu.memref_slice %arg2[%dma_wait3A_46, %dma_wait3A_47] : memref<1024x128xf32, #tpu.memory_space<hbm>> -> memref<1024x128xf32, #tpu.memory_space<hbm>>
    tpu.wait_indirect_dma semaphore(%arg7 : memref<!tpu.dma_semaphore, #tpu.memory_space<semaphore_mem>>) src(%dma_wait3A_48 : memref<1024x128xf32, #tpu.memory_space<hbm>>) dst(%arg6 : memref<128x128xf32, #tpu.memory_space<vmem>>)
    "tpu.region"() ({
      %run_scoped3A = tpu.sem_alloc : memref<!tpu.dma_semaphore, #tpu.memory_space<semaphore_mem>>
      %dma_start3A_129 = arith.constant 0 : i32
      %dma_start3A_130 = tpu.memref_slice %arg4[%add3A_42, %dma_start3A_129] : memref<65536x128xf32, #tpu.memory_space<hbm>> -> memref<128x128xf32, #tpu.memory_space<hbm>>
      %dma_start3A_131 = arith.constant 0 : i32
      %dma_start3A_132 = tpu.memref_slice %arg4[%add3A_42, %dma_start3A_131] : memref<65536x128xf32, #tpu.memory_space<hbm>> -> memref<128x128xf32, #tpu.memory_space<hbm>>
      tpu.enqueue_dma source(%arg6 : memref<128x128xf32, #tpu.memory_space<vmem>>) target(%dma_start3A_132 : memref<128x128xf32, #tpu.memory_space<hbm>>) target_semaphore(%run_scoped3A : memref<!tpu.dma_semaphore, #tpu.memory_space<semaphore_mem>>)
      %dma_wait3A_133 = arith.constant 0 : i32
      %dma_wait3A_134 = tpu.memref_slice %arg4[%add3A_42, %dma_wait3A_133] : memref<65536x128xf32, #tpu.memory_space<hbm>> -> memref<128x128xf32, #tpu.memory_space<hbm>>
      %dma_wait3A_135 = arith.constant 0 : i32
      %dma_wait3A_136 = tpu.memref_slice %arg4[%add3A_42, %dma_wait3A_135] : memref<65536x128xf32, #tpu.memory_space<hbm>> -> memref<128x128xf32, #tpu.memory_space<hbm>>
      tpu.wait_dma2 semaphore(%run_scoped3A : memref<!tpu.dma_semaphore, #tpu.memory_space<semaphore_mem>>) src(%arg6 : memref<128x128xf32, #tpu.memory_space<vmem>>) dst(%dma_wait3A_136 : memref<128x128xf32, #tpu.memory_space<hbm>>)
      tpu.yield
    }) : () -> ()
    %add3A_49 = arith.constant 768 : i32
    %add3A_50 = arith.addi %mul3A_2, %add3A_49 : i32
    "tpu.region"() ({
      %run_scoped3A = tpu.sem_alloc : memref<!tpu.dma_semaphore, #tpu.memory_space<semaphore_mem>>
      %dma_start3A_129 = tpu.memref_slice %arg3[%add3A_50] : memref<65536xi32, #tpu.memory_space<hbm>> -> memref<128xi32, #tpu.memory_space<hbm>>
      %dma_start3A_130 = tpu.memref_slice %arg3[%add3A_50] : memref<65536xi32, #tpu.memory_space<hbm>> -> memref<128xi32, #tpu.memory_space<hbm>>
      tpu.enqueue_dma source(%dma_start3A_130 : memref<128xi32, #tpu.memory_space<hbm>>) target(%arg5 : memref<128xi32, #tpu.memory_space<vmem>>) target_semaphore(%run_scoped3A : memref<!tpu.dma_semaphore, #tpu.memory_space<semaphore_mem>>)
      %dma_wait3A_131 = tpu.memref_slice %arg3[%add3A_50] : memref<65536xi32, #tpu.memory_space<hbm>> -> memref<128xi32, #tpu.memory_space<hbm>>
      %dma_wait3A_132 = tpu.memref_slice %arg3[%add3A_50] : memref<65536xi32, #tpu.memory_space<hbm>> -> memref<128xi32, #tpu.memory_space<hbm>>
      tpu.wait_dma2 semaphore(%run_scoped3A : memref<!tpu.dma_semaphore, #tpu.memory_space<semaphore_mem>>) src(%dma_wait3A_132 : memref<128xi32, #tpu.memory_space<hbm>>) dst(%arg5 : memref<128xi32, #tpu.memory_space<vmem>>)
      tpu.yield
    }) : () -> ()
    %dma_start3A_51 = arith.constant 0 : i32
    %dma_start3A_52 = arith.constant 0 : i32
    %dma_start3A_53 = tpu.memref_slice %arg2[%dma_start3A_51, %dma_start3A_52] : memref<1024x128xf32, #tpu.memory_space<hbm>> -> memref<1024x128xf32, #tpu.memory_space<hbm>>
    tpu.enqueue_indirect_dma source(%dma_start3A_53 : memref<1024x128xf32, #tpu.memory_space<hbm>>) target(%arg6 : memref<128x128xf32, #tpu.memory_space<vmem>>) offsets(%arg5 : memref<128xi32, #tpu.memory_space<vmem>>) semaphore(%arg7 : memref<!tpu.dma_semaphore, #tpu.memory_space<semaphore_mem>>)
    %dma_wait3A_54 = arith.constant 0 : i32
    %dma_wait3A_55 = arith.constant 0 : i32
    %dma_wait3A_56 = tpu.memref_slice %arg2[%dma_wait3A_54, %dma_wait3A_55] : memref<1024x128xf32, #tpu.memory_space<hbm>> -> memref<1024x128xf32, #tpu.memory_space<hbm>>
    tpu.wait_indirect_dma semaphore(%arg7 : memref<!tpu.dma_semaphore, #tpu.memory_space<semaphore_mem>>) src(%dma_wait3A_56 : memref<1024x128xf32, #tpu.memory_space<hbm>>) dst(%arg6 : memref<128x128xf32, #tpu.memory_space<vmem>>)
    "tpu.region"() ({
      %run_scoped3A = tpu.sem_alloc : memref<!tpu.dma_semaphore, #tpu.memory_space<semaphore_mem>>
      %dma_start3A_129 = arith.constant 0 : i32
      %dma_start3A_130 = tpu.memref_slice %arg4[%add3A_50, %dma_start3A_129] : memref<65536x128xf32, #tpu.memory_space<hbm>> -> memref<128x128xf32, #tpu.memory_space<hbm>>
      %dma_start3A_131 = arith.constant 0 : i32
      %dma_start3A_132 = tpu.memref_slice %arg4[%add3A_50, %dma_start3A_131] : memref<65536x128xf32, #tpu.memory_space<hbm>> -> memref<128x128xf32, #tpu.memory_space<hbm>>
      tpu.enqueue_dma source(%arg6 : memref<128x128xf32, #tpu.memory_space<vmem>>) target(%dma_start3A_132 : memref<128x128xf32, #tpu.memory_space<hbm>>) target_semaphore(%run_scoped3A : memref<!tpu.dma_semaphore, #tpu.memory_space<semaphore_mem>>)
      %dma_wait3A_133 = arith.constant 0 : i32
      %dma_wait3A_134 = tpu.memref_slice %arg4[%add3A_50, %dma_wait3A_133] : memref<65536x128xf32, #tpu.memory_space<hbm>> -> memref<128x128xf32, #tpu.memory_space<hbm>>
      %dma_wait3A_135 = arith.constant 0 : i32
      %dma_wait3A_136 = tpu.memref_slice %arg4[%add3A_50, %dma_wait3A_135] : memref<65536x128xf32, #tpu.memory_space<hbm>> -> memref<128x128xf32, #tpu.memory_space<hbm>>
      tpu.wait_dma2 semaphore(%run_scoped3A : memref<!tpu.dma_semaphore, #tpu.memory_space<semaphore_mem>>) src(%arg6 : memref<128x128xf32, #tpu.memory_space<vmem>>) dst(%dma_wait3A_136 : memref<128x128xf32, #tpu.memory_space<hbm>>)
      tpu.yield
    }) : () -> ()
    %add3A_57 = arith.constant 896 : i32
    %add3A_58 = arith.addi %mul3A_2, %add3A_57 : i32
    "tpu.region"() ({
      %run_scoped3A = tpu.sem_alloc : memref<!tpu.dma_semaphore, #tpu.memory_space<semaphore_mem>>
      %dma_start3A_129 = tpu.memref_slice %arg3[%add3A_58] : memref<65536xi32, #tpu.memory_space<hbm>> -> memref<128xi32, #tpu.memory_space<hbm>>
      %dma_start3A_130 = tpu.memref_slice %arg3[%add3A_58] : memref<65536xi32, #tpu.memory_space<hbm>> -> memref<128xi32, #tpu.memory_space<hbm>>
      tpu.enqueue_dma source(%dma_start3A_130 : memref<128xi32, #tpu.memory_space<hbm>>) target(%arg5 : memref<128xi32, #tpu.memory_space<vmem>>) target_semaphore(%run_scoped3A : memref<!tpu.dma_semaphore, #tpu.memory_space<semaphore_mem>>)
      %dma_wait3A_131 = tpu.memref_slice %arg3[%add3A_58] : memref<65536xi32, #tpu.memory_space<hbm>> -> memref<128xi32, #tpu.memory_space<hbm>>
      %dma_wait3A_132 = tpu.memref_slice %arg3[%add3A_58] : memref<65536xi32, #tpu.memory_space<hbm>> -> memref<128xi32, #tpu.memory_space<hbm>>
      tpu.wait_dma2 semaphore(%run_scoped3A : memref<!tpu.dma_semaphore, #tpu.memory_space<semaphore_mem>>) src(%dma_wait3A_132 : memref<128xi32, #tpu.memory_space<hbm>>) dst(%arg5 : memref<128xi32, #tpu.memory_space<vmem>>)
      tpu.yield
    }) : () -> ()
    %dma_start3A_59 = arith.constant 0 : i32
    %dma_start3A_60 = arith.constant 0 : i32
    %dma_start3A_61 = tpu.memref_slice %arg2[%dma_start3A_59, %dma_start3A_60] : memref<1024x128xf32, #tpu.memory_space<hbm>> -> memref<1024x128xf32, #tpu.memory_space<hbm>>
    tpu.enqueue_indirect_dma source(%dma_start3A_61 : memref<1024x128xf32, #tpu.memory_space<hbm>>) target(%arg6 : memref<128x128xf32, #tpu.memory_space<vmem>>) offsets(%arg5 : memref<128xi32, #tpu.memory_space<vmem>>) semaphore(%arg7 : memref<!tpu.dma_semaphore, #tpu.memory_space<semaphore_mem>>)
    %dma_wait3A_62 = arith.constant 0 : i32
    %dma_wait3A_63 = arith.constant 0 : i32
    %dma_wait3A_64 = tpu.memref_slice %arg2[%dma_wait3A_62, %dma_wait3A_63] : memref<1024x128xf32, #tpu.memory_space<hbm>> -> memref<1024x128xf32, #tpu.memory_space<hbm>>
    tpu.wait_indirect_dma semaphore(%arg7 : memref<!tpu.dma_semaphore, #tpu.memory_space<semaphore_mem>>) src(%dma_wait3A_64 : memref<1024x128xf32, #tpu.memory_space<hbm>>) dst(%arg6 : memref<128x128xf32, #tpu.memory_space<vmem>>)
    "tpu.region"() ({
      %run_scoped3A = tpu.sem_alloc : memref<!tpu.dma_semaphore, #tpu.memory_space<semaphore_mem>>
      %dma_start3A_129 = arith.constant 0 : i32
      %dma_start3A_130 = tpu.memref_slice %arg4[%add3A_58, %dma_start3A_129] : memref<65536x128xf32, #tpu.memory_space<hbm>> -> memref<128x128xf32, #tpu.memory_space<hbm>>
      %dma_start3A_131 = arith.constant 0 : i32
      %dma_start3A_132 = tpu.memref_slice %arg4[%add3A_58, %dma_start3A_131] : memref<65536x128xf32, #tpu.memory_space<hbm>> -> memref<128x128xf32, #tpu.memory_space<hbm>>
      tpu.enqueue_dma source(%arg6 : memref<128x128xf32, #tpu.memory_space<vmem>>) target(%dma_start3A_132 : memref<128x128xf32, #tpu.memory_space<hbm>>) target_semaphore(%run_scoped3A : memref<!tpu.dma_semaphore, #tpu.memory_space<semaphore_mem>>)
      %dma_wait3A_133 = arith.constant 0 : i32
      %dma_wait3A_134 = tpu.memref_slice %arg4[%add3A_58, %dma_wait3A_133] : memref<65536x128xf32, #tpu.memory_space<hbm>> -> memref<128x128xf32, #tpu.memory_space<hbm>>
      %dma_wait3A_135 = arith.constant 0 : i32
      %dma_wait3A_136 = tpu.memref_slice %arg4[%add3A_58, %dma_wait3A_135] : memref<65536x128xf32, #tpu.memory_space<hbm>> -> memref<128x128xf32, #tpu.memory_space<hbm>>
      tpu.wait_dma2 semaphore(%run_scoped3A : memref<!tpu.dma_semaphore, #tpu.memory_space<semaphore_mem>>) src(%arg6 : memref<128x128xf32, #tpu.memory_space<vmem>>) dst(%dma_wait3A_136 : memref<128x128xf32, #tpu.memory_space<hbm>>)
      tpu.yield
    }) : () -> ()
    %add3A_65 = arith.constant 1024 : i32
    %add3A_66 = arith.addi %mul3A_2, %add3A_65 : i32
    "tpu.region"() ({
      %run_scoped3A = tpu.sem_alloc : memref<!tpu.dma_semaphore, #tpu.memory_space<semaphore_mem>>
      %dma_start3A_129 = tpu.memref_slice %arg3[%add3A_66] : memref<65536xi32, #tpu.memory_space<hbm>> -> memref<128xi32, #tpu.memory_space<hbm>>
      %dma_start3A_130 = tpu.memref_slice %arg3[%add3A_66] : memref<65536xi32, #tpu.memory_space<hbm>> -> memref<128xi32, #tpu.memory_space<hbm>>
      tpu.enqueue_dma source(%dma_start3A_130 : memref<128xi32, #tpu.memory_space<hbm>>) target(%arg5 : memref<128xi32, #tpu.memory_space<vmem>>) target_semaphore(%run_scoped3A : memref<!tpu.dma_semaphore, #tpu.memory_space<semaphore_mem>>)
      %dma_wait3A_131 = tpu.memref_slice %arg3[%add3A_66] : memref<65536xi32, #tpu.memory_space<hbm>> -> memref<128xi32, #tpu.memory_space<hbm>>
      %dma_wait3A_132 = tpu.memref_slice %arg3[%add3A_66] : memref<65536xi32, #tpu.memory_space<hbm>> -> memref<128xi32, #tpu.memory_space<hbm>>
      tpu.wait_dma2 semaphore(%run_scoped3A : memref<!tpu.dma_semaphore, #tpu.memory_space<semaphore_mem>>) src(%dma_wait3A_132 : memref<128xi32, #tpu.memory_space<hbm>>) dst(%arg5 : memref<128xi32, #tpu.memory_space<vmem>>)
      tpu.yield
    }) : () -> ()
    %dma_start3A_67 = arith.constant 0 : i32
    %dma_start3A_68 = arith.constant 0 : i32
    %dma_start3A_69 = tpu.memref_slice %arg2[%dma_start3A_67, %dma_start3A_68] : memref<1024x128xf32, #tpu.memory_space<hbm>> -> memref<1024x128xf32, #tpu.memory_space<hbm>>
    tpu.enqueue_indirect_dma source(%dma_start3A_69 : memref<1024x128xf32, #tpu.memory_space<hbm>>) target(%arg6 : memref<128x128xf32, #tpu.memory_space<vmem>>) offsets(%arg5 : memref<128xi32, #tpu.memory_space<vmem>>) semaphore(%arg7 : memref<!tpu.dma_semaphore, #tpu.memory_space<semaphore_mem>>)
    %dma_wait3A_70 = arith.constant 0 : i32
    %dma_wait3A_71 = arith.constant 0 : i32
    %dma_wait3A_72 = tpu.memref_slice %arg2[%dma_wait3A_70, %dma_wait3A_71] : memref<1024x128xf32, #tpu.memory_space<hbm>> -> memref<1024x128xf32, #tpu.memory_space<hbm>>
    tpu.wait_indirect_dma semaphore(%arg7 : memref<!tpu.dma_semaphore, #tpu.memory_space<semaphore_mem>>) src(%dma_wait3A_72 : memref<1024x128xf32, #tpu.memory_space<hbm>>) dst(%arg6 : memref<128x128xf32, #tpu.memory_space<vmem>>)
    "tpu.region"() ({
      %run_scoped3A = tpu.sem_alloc : memref<!tpu.dma_semaphore, #tpu.memory_space<semaphore_mem>>
      %dma_start3A_129 = arith.constant 0 : i32
      %dma_start3A_130 = tpu.memref_slice %arg4[%add3A_66, %dma_start3A_129] : memref<65536x128xf32, #tpu.memory_space<hbm>> -> memref<128x128xf32, #tpu.memory_space<hbm>>
      %dma_start3A_131 = arith.constant 0 : i32
      %dma_start3A_132 = tpu.memref_slice %arg4[%add3A_66, %dma_start3A_131] : memref<65536x128xf32, #tpu.memory_space<hbm>> -> memref<128x128xf32, #tpu.memory_space<hbm>>
      tpu.enqueue_dma source(%arg6 : memref<128x128xf32, #tpu.memory_space<vmem>>) target(%dma_start3A_132 : memref<128x128xf32, #tpu.memory_space<hbm>>) target_semaphore(%run_scoped3A : memref<!tpu.dma_semaphore, #tpu.memory_space<semaphore_mem>>)
      %dma_wait3A_133 = arith.constant 0 : i32
      %dma_wait3A_134 = tpu.memref_slice %arg4[%add3A_66, %dma_wait3A_133] : memref<65536x128xf32, #tpu.memory_space<hbm>> -> memref<128x128xf32, #tpu.memory_space<hbm>>
      %dma_wait3A_135 = arith.constant 0 : i32
      %dma_wait3A_136 = tpu.memref_slice %arg4[%add3A_66, %dma_wait3A_135] : memref<65536x128xf32, #tpu.memory_space<hbm>> -> memref<128x128xf32, #tpu.memory_space<hbm>>
      tpu.wait_dma2 semaphore(%run_scoped3A : memref<!tpu.dma_semaphore, #tpu.memory_space<semaphore_mem>>) src(%arg6 : memref<128x128xf32, #tpu.memory_space<vmem>>) dst(%dma_wait3A_136 : memref<128x128xf32, #tpu.memory_space<hbm>>)
      tpu.yield
    }) : () -> ()
    %add3A_73 = arith.constant 1152 : i32
    %add3A_74 = arith.addi %mul3A_2, %add3A_73 : i32
    "tpu.region"() ({
      %run_scoped3A = tpu.sem_alloc : memref<!tpu.dma_semaphore, #tpu.memory_space<semaphore_mem>>
      %dma_start3A_129 = tpu.memref_slice %arg3[%add3A_74] : memref<65536xi32, #tpu.memory_space<hbm>> -> memref<128xi32, #tpu.memory_space<hbm>>
      %dma_start3A_130 = tpu.memref_slice %arg3[%add3A_74] : memref<65536xi32, #tpu.memory_space<hbm>> -> memref<128xi32, #tpu.memory_space<hbm>>
      tpu.enqueue_dma source(%dma_start3A_130 : memref<128xi32, #tpu.memory_space<hbm>>) target(%arg5 : memref<128xi32, #tpu.memory_space<vmem>>) target_semaphore(%run_scoped3A : memref<!tpu.dma_semaphore, #tpu.memory_space<semaphore_mem>>)
      %dma_wait3A_131 = tpu.memref_slice %arg3[%add3A_74] : memref<65536xi32, #tpu.memory_space<hbm>> -> memref<128xi32, #tpu.memory_space<hbm>>
      %dma_wait3A_132 = tpu.memref_slice %arg3[%add3A_74] : memref<65536xi32, #tpu.memory_space<hbm>> -> memref<128xi32, #tpu.memory_space<hbm>>
      tpu.wait_dma2 semaphore(%run_scoped3A : memref<!tpu.dma_semaphore, #tpu.memory_space<semaphore_mem>>) src(%dma_wait3A_132 : memref<128xi32, #tpu.memory_space<hbm>>) dst(%arg5 : memref<128xi32, #tpu.memory_space<vmem>>)
      tpu.yield
    }) : () -> ()
    %dma_start3A_75 = arith.constant 0 : i32
    %dma_start3A_76 = arith.constant 0 : i32
    %dma_start3A_77 = tpu.memref_slice %arg2[%dma_start3A_75, %dma_start3A_76] : memref<1024x128xf32, #tpu.memory_space<hbm>> -> memref<1024x128xf32, #tpu.memory_space<hbm>>
    tpu.enqueue_indirect_dma source(%dma_start3A_77 : memref<1024x128xf32, #tpu.memory_space<hbm>>) target(%arg6 : memref<128x128xf32, #tpu.memory_space<vmem>>) offsets(%arg5 : memref<128xi32, #tpu.memory_space<vmem>>) semaphore(%arg7 : memref<!tpu.dma_semaphore, #tpu.memory_space<semaphore_mem>>)
    %dma_wait3A_78 = arith.constant 0 : i32
    %dma_wait3A_79 = arith.constant 0 : i32
    %dma_wait3A_80 = tpu.memref_slice %arg2[%dma_wait3A_78, %dma_wait3A_79] : memref<1024x128xf32, #tpu.memory_space<hbm>> -> memref<1024x128xf32, #tpu.memory_space<hbm>>
    tpu.wait_indirect_dma semaphore(%arg7 : memref<!tpu.dma_semaphore, #tpu.memory_space<semaphore_mem>>) src(%dma_wait3A_80 : memref<1024x128xf32, #tpu.memory_space<hbm>>) dst(%arg6 : memref<128x128xf32, #tpu.memory_space<vmem>>)
    "tpu.region"() ({
      %run_scoped3A = tpu.sem_alloc : memref<!tpu.dma_semaphore, #tpu.memory_space<semaphore_mem>>
      %dma_start3A_129 = arith.constant 0 : i32
      %dma_start3A_130 = tpu.memref_slice %arg4[%add3A_74, %dma_start3A_129] : memref<65536x128xf32, #tpu.memory_space<hbm>> -> memref<128x128xf32, #tpu.memory_space<hbm>>
      %dma_start3A_131 = arith.constant 0 : i32
      %dma_start3A_132 = tpu.memref_slice %arg4[%add3A_74, %dma_start3A_131] : memref<65536x128xf32, #tpu.memory_space<hbm>> -> memref<128x128xf32, #tpu.memory_space<hbm>>
      tpu.enqueue_dma source(%arg6 : memref<128x128xf32, #tpu.memory_space<vmem>>) target(%dma_start3A_132 : memref<128x128xf32, #tpu.memory_space<hbm>>) target_semaphore(%run_scoped3A : memref<!tpu.dma_semaphore, #tpu.memory_space<semaphore_mem>>)
      %dma_wait3A_133 = arith.constant 0 : i32
      %dma_wait3A_134 = tpu.memref_slice %arg4[%add3A_74, %dma_wait3A_133] : memref<65536x128xf32, #tpu.memory_space<hbm>> -> memref<128x128xf32, #tpu.memory_space<hbm>>
      %dma_wait3A_135 = arith.constant 0 : i32
      %dma_wait3A_136 = tpu.memref_slice %arg4[%add3A_74, %dma_wait3A_135] : memref<65536x128xf32, #tpu.memory_space<hbm>> -> memref<128x128xf32, #tpu.memory_space<hbm>>
      tpu.wait_dma2 semaphore(%run_scoped3A : memref<!tpu.dma_semaphore, #tpu.memory_space<semaphore_mem>>) src(%arg6 : memref<128x128xf32, #tpu.memory_space<vmem>>) dst(%dma_wait3A_136 : memref<128x128xf32, #tpu.memory_space<hbm>>)
      tpu.yield
    }) : () -> ()
    %add3A_81 = arith.constant 1280 : i32
    %add3A_82 = arith.addi %mul3A_2, %add3A_81 : i32
    "tpu.region"() ({
      %run_scoped3A = tpu.sem_alloc : memref<!tpu.dma_semaphore, #tpu.memory_space<semaphore_mem>>
      %dma_start3A_129 = tpu.memref_slice %arg3[%add3A_82] : memref<65536xi32, #tpu.memory_space<hbm>> -> memref<128xi32, #tpu.memory_space<hbm>>
      %dma_start3A_130 = tpu.memref_slice %arg3[%add3A_82] : memref<65536xi32, #tpu.memory_space<hbm>> -> memref<128xi32, #tpu.memory_space<hbm>>
      tpu.enqueue_dma source(%dma_start3A_130 : memref<128xi32, #tpu.memory_space<hbm>>) target(%arg5 : memref<128xi32, #tpu.memory_space<vmem>>) target_semaphore(%run_scoped3A : memref<!tpu.dma_semaphore, #tpu.memory_space<semaphore_mem>>)
      %dma_wait3A_131 = tpu.memref_slice %arg3[%add3A_82] : memref<65536xi32, #tpu.memory_space<hbm>> -> memref<128xi32, #tpu.memory_space<hbm>>
      %dma_wait3A_132 = tpu.memref_slice %arg3[%add3A_82] : memref<65536xi32, #tpu.memory_space<hbm>> -> memref<128xi32, #tpu.memory_space<hbm>>
      tpu.wait_dma2 semaphore(%run_scoped3A : memref<!tpu.dma_semaphore, #tpu.memory_space<semaphore_mem>>) src(%dma_wait3A_132 : memref<128xi32, #tpu.memory_space<hbm>>) dst(%arg5 : memref<128xi32, #tpu.memory_space<vmem>>)
      tpu.yield
    }) : () -> ()
    %dma_start3A_83 = arith.constant 0 : i32
    %dma_start3A_84 = arith.constant 0 : i32
    %dma_start3A_85 = tpu.memref_slice %arg2[%dma_start3A_83, %dma_start3A_84] : memref<1024x128xf32, #tpu.memory_space<hbm>> -> memref<1024x128xf32, #tpu.memory_space<hbm>>
    tpu.enqueue_indirect_dma source(%dma_start3A_85 : memref<1024x128xf32, #tpu.memory_space<hbm>>) target(%arg6 : memref<128x128xf32, #tpu.memory_space<vmem>>) offsets(%arg5 : memref<128xi32, #tpu.memory_space<vmem>>) semaphore(%arg7 : memref<!tpu.dma_semaphore, #tpu.memory_space<semaphore_mem>>)
    %dma_wait3A_86 = arith.constant 0 : i32
    %dma_wait3A_87 = arith.constant 0 : i32
    %dma_wait3A_88 = tpu.memref_slice %arg2[%dma_wait3A_86, %dma_wait3A_87] : memref<1024x128xf32, #tpu.memory_space<hbm>> -> memref<1024x128xf32, #tpu.memory_space<hbm>>
    tpu.wait_indirect_dma semaphore(%arg7 : memref<!tpu.dma_semaphore, #tpu.memory_space<semaphore_mem>>) src(%dma_wait3A_88 : memref<1024x128xf32, #tpu.memory_space<hbm>>) dst(%arg6 : memref<128x128xf32, #tpu.memory_space<vmem>>)
    "tpu.region"() ({
      %run_scoped3A = tpu.sem_alloc : memref<!tpu.dma_semaphore, #tpu.memory_space<semaphore_mem>>
      %dma_start3A_129 = arith.constant 0 : i32
      %dma_start3A_130 = tpu.memref_slice %arg4[%add3A_82, %dma_start3A_129] : memref<65536x128xf32, #tpu.memory_space<hbm>> -> memref<128x128xf32, #tpu.memory_space<hbm>>
      %dma_start3A_131 = arith.constant 0 : i32
      %dma_start3A_132 = tpu.memref_slice %arg4[%add3A_82, %dma_start3A_131] : memref<65536x128xf32, #tpu.memory_space<hbm>> -> memref<128x128xf32, #tpu.memory_space<hbm>>
      tpu.enqueue_dma source(%arg6 : memref<128x128xf32, #tpu.memory_space<vmem>>) target(%dma_start3A_132 : memref<128x128xf32, #tpu.memory_space<hbm>>) target_semaphore(%run_scoped3A : memref<!tpu.dma_semaphore, #tpu.memory_space<semaphore_mem>>)
      %dma_wait3A_133 = arith.constant 0 : i32
      %dma_wait3A_134 = tpu.memref_slice %arg4[%add3A_82, %dma_wait3A_133] : memref<65536x128xf32, #tpu.memory_space<hbm>> -> memref<128x128xf32, #tpu.memory_space<hbm>>
      %dma_wait3A_135 = arith.constant 0 : i32
      %dma_wait3A_136 = tpu.memref_slice %arg4[%add3A_82, %dma_wait3A_135] : memref<65536x128xf32, #tpu.memory_space<hbm>> -> memref<128x128xf32, #tpu.memory_space<hbm>>
      tpu.wait_dma2 semaphore(%run_scoped3A : memref<!tpu.dma_semaphore, #tpu.memory_space<semaphore_mem>>) src(%arg6 : memref<128x128xf32, #tpu.memory_space<vmem>>) dst(%dma_wait3A_136 : memref<128x128xf32, #tpu.memory_space<hbm>>)
      tpu.yield
    }) : () -> ()
    %add3A_89 = arith.constant 1408 : i32
    %add3A_90 = arith.addi %mul3A_2, %add3A_89 : i32
    "tpu.region"() ({
      %run_scoped3A = tpu.sem_alloc : memref<!tpu.dma_semaphore, #tpu.memory_space<semaphore_mem>>
      %dma_start3A_129 = tpu.memref_slice %arg3[%add3A_90] : memref<65536xi32, #tpu.memory_space<hbm>> -> memref<128xi32, #tpu.memory_space<hbm>>
      %dma_start3A_130 = tpu.memref_slice %arg3[%add3A_90] : memref<65536xi32, #tpu.memory_space<hbm>> -> memref<128xi32, #tpu.memory_space<hbm>>
      tpu.enqueue_dma source(%dma_start3A_130 : memref<128xi32, #tpu.memory_space<hbm>>) target(%arg5 : memref<128xi32, #tpu.memory_space<vmem>>) target_semaphore(%run_scoped3A : memref<!tpu.dma_semaphore, #tpu.memory_space<semaphore_mem>>)
      %dma_wait3A_131 = tpu.memref_slice %arg3[%add3A_90] : memref<65536xi32, #tpu.memory_space<hbm>> -> memref<128xi32, #tpu.memory_space<hbm>>
      %dma_wait3A_132 = tpu.memref_slice %arg3[%add3A_90] : memref<65536xi32, #tpu.memory_space<hbm>> -> memref<128xi32, #tpu.memory_space<hbm>>
      tpu.wait_dma2 semaphore(%run_scoped3A : memref<!tpu.dma_semaphore, #tpu.memory_space<semaphore_mem>>) src(%dma_wait3A_132 : memref<128xi32, #tpu.memory_space<hbm>>) dst(%arg5 : memref<128xi32, #tpu.memory_space<vmem>>)
      tpu.yield
    }) : () -> ()
    %dma_start3A_91 = arith.constant 0 : i32
    %dma_start3A_92 = arith.constant 0 : i32
    %dma_start3A_93 = tpu.memref_slice %arg2[%dma_start3A_91, %dma_start3A_92] : memref<1024x128xf32, #tpu.memory_space<hbm>> -> memref<1024x128xf32, #tpu.memory_space<hbm>>
    tpu.enqueue_indirect_dma source(%dma_start3A_93 : memref<1024x128xf32, #tpu.memory_space<hbm>>) target(%arg6 : memref<128x128xf32, #tpu.memory_space<vmem>>) offsets(%arg5 : memref<128xi32, #tpu.memory_space<vmem>>) semaphore(%arg7 : memref<!tpu.dma_semaphore, #tpu.memory_space<semaphore_mem>>)
    %dma_wait3A_94 = arith.constant 0 : i32
    %dma_wait3A_95 = arith.constant 0 : i32
    %dma_wait3A_96 = tpu.memref_slice %arg2[%dma_wait3A_94, %dma_wait3A_95] : memref<1024x128xf32, #tpu.memory_space<hbm>> -> memref<1024x128xf32, #tpu.memory_space<hbm>>
    tpu.wait_indirect_dma semaphore(%arg7 : memref<!tpu.dma_semaphore, #tpu.memory_space<semaphore_mem>>) src(%dma_wait3A_96 : memref<1024x128xf32, #tpu.memory_space<hbm>>) dst(%arg6 : memref<128x128xf32, #tpu.memory_space<vmem>>)
    "tpu.region"() ({
      %run_scoped3A = tpu.sem_alloc : memref<!tpu.dma_semaphore, #tpu.memory_space<semaphore_mem>>
      %dma_start3A_129 = arith.constant 0 : i32
      %dma_start3A_130 = tpu.memref_slice %arg4[%add3A_90, %dma_start3A_129] : memref<65536x128xf32, #tpu.memory_space<hbm>> -> memref<128x128xf32, #tpu.memory_space<hbm>>
      %dma_start3A_131 = arith.constant 0 : i32
      %dma_start3A_132 = tpu.memref_slice %arg4[%add3A_90, %dma_start3A_131] : memref<65536x128xf32, #tpu.memory_space<hbm>> -> memref<128x128xf32, #tpu.memory_space<hbm>>
      tpu.enqueue_dma source(%arg6 : memref<128x128xf32, #tpu.memory_space<vmem>>) target(%dma_start3A_132 : memref<128x128xf32, #tpu.memory_space<hbm>>) target_semaphore(%run_scoped3A : memref<!tpu.dma_semaphore, #tpu.memory_space<semaphore_mem>>)
      %dma_wait3A_133 = arith.constant 0 : i32
      %dma_wait3A_134 = tpu.memref_slice %arg4[%add3A_90, %dma_wait3A_133] : memref<65536x128xf32, #tpu.memory_space<hbm>> -> memref<128x128xf32, #tpu.memory_space<hbm>>
      %dma_wait3A_135 = arith.constant 0 : i32
      %dma_wait3A_136 = tpu.memref_slice %arg4[%add3A_90, %dma_wait3A_135] : memref<65536x128xf32, #tpu.memory_space<hbm>> -> memref<128x128xf32, #tpu.memory_space<hbm>>
      tpu.wait_dma2 semaphore(%run_scoped3A : memref<!tpu.dma_semaphore, #tpu.memory_space<semaphore_mem>>) src(%arg6 : memref<128x128xf32, #tpu.memory_space<vmem>>) dst(%dma_wait3A_136 : memref<128x128xf32, #tpu.memory_space<hbm>>)
      tpu.yield
    }) : () -> ()
    %add3A_97 = arith.constant 1536 : i32
    %add3A_98 = arith.addi %mul3A_2, %add3A_97 : i32
    "tpu.region"() ({
      %run_scoped3A = tpu.sem_alloc : memref<!tpu.dma_semaphore, #tpu.memory_space<semaphore_mem>>
      %dma_start3A_129 = tpu.memref_slice %arg3[%add3A_98] : memref<65536xi32, #tpu.memory_space<hbm>> -> memref<128xi32, #tpu.memory_space<hbm>>
      %dma_start3A_130 = tpu.memref_slice %arg3[%add3A_98] : memref<65536xi32, #tpu.memory_space<hbm>> -> memref<128xi32, #tpu.memory_space<hbm>>
      tpu.enqueue_dma source(%dma_start3A_130 : memref<128xi32, #tpu.memory_space<hbm>>) target(%arg5 : memref<128xi32, #tpu.memory_space<vmem>>) target_semaphore(%run_scoped3A : memref<!tpu.dma_semaphore, #tpu.memory_space<semaphore_mem>>)
      %dma_wait3A_131 = tpu.memref_slice %arg3[%add3A_98] : memref<65536xi32, #tpu.memory_space<hbm>> -> memref<128xi32, #tpu.memory_space<hbm>>
      %dma_wait3A_132 = tpu.memref_slice %arg3[%add3A_98] : memref<65536xi32, #tpu.memory_space<hbm>> -> memref<128xi32, #tpu.memory_space<hbm>>
      tpu.wait_dma2 semaphore(%run_scoped3A : memref<!tpu.dma_semaphore, #tpu.memory_space<semaphore_mem>>) src(%dma_wait3A_132 : memref<128xi32, #tpu.memory_space<hbm>>) dst(%arg5 : memref<128xi32, #tpu.memory_space<vmem>>)
      tpu.yield
    }) : () -> ()
    %dma_start3A_99 = arith.constant 0 : i32
    %dma_start3A_100 = arith.constant 0 : i32
    %dma_start3A_101 = tpu.memref_slice %arg2[%dma_start3A_99, %dma_start3A_100] : memref<1024x128xf32, #tpu.memory_space<hbm>> -> memref<1024x128xf32, #tpu.memory_space<hbm>>
    tpu.enqueue_indirect_dma source(%dma_start3A_101 : memref<1024x128xf32, #tpu.memory_space<hbm>>) target(%arg6 : memref<128x128xf32, #tpu.memory_space<vmem>>) offsets(%arg5 : memref<128xi32, #tpu.memory_space<vmem>>) semaphore(%arg7 : memref<!tpu.dma_semaphore, #tpu.memory_space<semaphore_mem>>)
    %dma_wait3A_102 = arith.constant 0 : i32
    %dma_wait3A_103 = arith.constant 0 : i32
    %dma_wait3A_104 = tpu.memref_slice %arg2[%dma_wait3A_102, %dma_wait3A_103] : memref<1024x128xf32, #tpu.memory_space<hbm>> -> memref<1024x128xf32, #tpu.memory_space<hbm>>
    tpu.wait_indirect_dma semaphore(%arg7 : memref<!tpu.dma_semaphore, #tpu.memory_space<semaphore_mem>>) src(%dma_wait3A_104 : memref<1024x128xf32, #tpu.memory_space<hbm>>) dst(%arg6 : memref<128x128xf32, #tpu.memory_space<vmem>>)
    "tpu.region"() ({
      %run_scoped3A = tpu.sem_alloc : memref<!tpu.dma_semaphore, #tpu.memory_space<semaphore_mem>>
      %dma_start3A_129 = arith.constant 0 : i32
      %dma_start3A_130 = tpu.memref_slice %arg4[%add3A_98, %dma_start3A_129] : memref<65536x128xf32, #tpu.memory_space<hbm>> -> memref<128x128xf32, #tpu.memory_space<hbm>>
      %dma_start3A_131 = arith.constant 0 : i32
      %dma_start3A_132 = tpu.memref_slice %arg4[%add3A_98, %dma_start3A_131] : memref<65536x128xf32, #tpu.memory_space<hbm>> -> memref<128x128xf32, #tpu.memory_space<hbm>>
      tpu.enqueue_dma source(%arg6 : memref<128x128xf32, #tpu.memory_space<vmem>>) target(%dma_start3A_132 : memref<128x128xf32, #tpu.memory_space<hbm>>) target_semaphore(%run_scoped3A : memref<!tpu.dma_semaphore, #tpu.memory_space<semaphore_mem>>)
      %dma_wait3A_133 = arith.constant 0 : i32
      %dma_wait3A_134 = tpu.memref_slice %arg4[%add3A_98, %dma_wait3A_133] : memref<65536x128xf32, #tpu.memory_space<hbm>> -> memref<128x128xf32, #tpu.memory_space<hbm>>
      %dma_wait3A_135 = arith.constant 0 : i32
      %dma_wait3A_136 = tpu.memref_slice %arg4[%add3A_98, %dma_wait3A_135] : memref<65536x128xf32, #tpu.memory_space<hbm>> -> memref<128x128xf32, #tpu.memory_space<hbm>>
      tpu.wait_dma2 semaphore(%run_scoped3A : memref<!tpu.dma_semaphore, #tpu.memory_space<semaphore_mem>>) src(%arg6 : memref<128x128xf32, #tpu.memory_space<vmem>>) dst(%dma_wait3A_136 : memref<128x128xf32, #tpu.memory_space<hbm>>)
      tpu.yield
    }) : () -> ()
    %add3A_105 = arith.constant 1664 : i32
    %add3A_106 = arith.addi %mul3A_2, %add3A_105 : i32
    "tpu.region"() ({
      %run_scoped3A = tpu.sem_alloc : memref<!tpu.dma_semaphore, #tpu.memory_space<semaphore_mem>>
      %dma_start3A_129 = tpu.memref_slice %arg3[%add3A_106] : memref<65536xi32, #tpu.memory_space<hbm>> -> memref<128xi32, #tpu.memory_space<hbm>>
      %dma_start3A_130 = tpu.memref_slice %arg3[%add3A_106] : memref<65536xi32, #tpu.memory_space<hbm>> -> memref<128xi32, #tpu.memory_space<hbm>>
      tpu.enqueue_dma source(%dma_start3A_130 : memref<128xi32, #tpu.memory_space<hbm>>) target(%arg5 : memref<128xi32, #tpu.memory_space<vmem>>) target_semaphore(%run_scoped3A : memref<!tpu.dma_semaphore, #tpu.memory_space<semaphore_mem>>)
      %dma_wait3A_131 = tpu.memref_slice %arg3[%add3A_106] : memref<65536xi32, #tpu.memory_space<hbm>> -> memref<128xi32, #tpu.memory_space<hbm>>
      %dma_wait3A_132 = tpu.memref_slice %arg3[%add3A_106] : memref<65536xi32, #tpu.memory_space<hbm>> -> memref<128xi32, #tpu.memory_space<hbm>>
      tpu.wait_dma2 semaphore(%run_scoped3A : memref<!tpu.dma_semaphore, #tpu.memory_space<semaphore_mem>>) src(%dma_wait3A_132 : memref<128xi32, #tpu.memory_space<hbm>>) dst(%arg5 : memref<128xi32, #tpu.memory_space<vmem>>)
      tpu.yield
    }) : () -> ()
    %dma_start3A_107 = arith.constant 0 : i32
    %dma_start3A_108 = arith.constant 0 : i32
    %dma_start3A_109 = tpu.memref_slice %arg2[%dma_start3A_107, %dma_start3A_108] : memref<1024x128xf32, #tpu.memory_space<hbm>> -> memref<1024x128xf32, #tpu.memory_space<hbm>>
    tpu.enqueue_indirect_dma source(%dma_start3A_109 : memref<1024x128xf32, #tpu.memory_space<hbm>>) target(%arg6 : memref<128x128xf32, #tpu.memory_space<vmem>>) offsets(%arg5 : memref<128xi32, #tpu.memory_space<vmem>>) semaphore(%arg7 : memref<!tpu.dma_semaphore, #tpu.memory_space<semaphore_mem>>)
    %dma_wait3A_110 = arith.constant 0 : i32
    %dma_wait3A_111 = arith.constant 0 : i32
    %dma_wait3A_112 = tpu.memref_slice %arg2[%dma_wait3A_110, %dma_wait3A_111] : memref<1024x128xf32, #tpu.memory_space<hbm>> -> memref<1024x128xf32, #tpu.memory_space<hbm>>
    tpu.wait_indirect_dma semaphore(%arg7 : memref<!tpu.dma_semaphore, #tpu.memory_space<semaphore_mem>>) src(%dma_wait3A_112 : memref<1024x128xf32, #tpu.memory_space<hbm>>) dst(%arg6 : memref<128x128xf32, #tpu.memory_space<vmem>>)
    "tpu.region"() ({
      %run_scoped3A = tpu.sem_alloc : memref<!tpu.dma_semaphore, #tpu.memory_space<semaphore_mem>>
      %dma_start3A_129 = arith.constant 0 : i32
      %dma_start3A_130 = tpu.memref_slice %arg4[%add3A_106, %dma_start3A_129] : memref<65536x128xf32, #tpu.memory_space<hbm>> -> memref<128x128xf32, #tpu.memory_space<hbm>>
      %dma_start3A_131 = arith.constant 0 : i32
      %dma_start3A_132 = tpu.memref_slice %arg4[%add3A_106, %dma_start3A_131] : memref<65536x128xf32, #tpu.memory_space<hbm>> -> memref<128x128xf32, #tpu.memory_space<hbm>>
      tpu.enqueue_dma source(%arg6 : memref<128x128xf32, #tpu.memory_space<vmem>>) target(%dma_start3A_132 : memref<128x128xf32, #tpu.memory_space<hbm>>) target_semaphore(%run_scoped3A : memref<!tpu.dma_semaphore, #tpu.memory_space<semaphore_mem>>)
      %dma_wait3A_133 = arith.constant 0 : i32
      %dma_wait3A_134 = tpu.memref_slice %arg4[%add3A_106, %dma_wait3A_133] : memref<65536x128xf32, #tpu.memory_space<hbm>> -> memref<128x128xf32, #tpu.memory_space<hbm>>
      %dma_wait3A_135 = arith.constant 0 : i32
      %dma_wait3A_136 = tpu.memref_slice %arg4[%add3A_106, %dma_wait3A_135] : memref<65536x128xf32, #tpu.memory_space<hbm>> -> memref<128x128xf32, #tpu.memory_space<hbm>>
      tpu.wait_dma2 semaphore(%run_scoped3A : memref<!tpu.dma_semaphore, #tpu.memory_space<semaphore_mem>>) src(%arg6 : memref<128x128xf32, #tpu.memory_space<vmem>>) dst(%dma_wait3A_136 : memref<128x128xf32, #tpu.memory_space<hbm>>)
      tpu.yield
    }) : () -> ()
    %add3A_113 = arith.constant 1792 : i32
    %add3A_114 = arith.addi %mul3A_2, %add3A_113 : i32
    "tpu.region"() ({
      %run_scoped3A = tpu.sem_alloc : memref<!tpu.dma_semaphore, #tpu.memory_space<semaphore_mem>>
      %dma_start3A_129 = tpu.memref_slice %arg3[%add3A_114] : memref<65536xi32, #tpu.memory_space<hbm>> -> memref<128xi32, #tpu.memory_space<hbm>>
      %dma_start3A_130 = tpu.memref_slice %arg3[%add3A_114] : memref<65536xi32, #tpu.memory_space<hbm>> -> memref<128xi32, #tpu.memory_space<hbm>>
      tpu.enqueue_dma source(%dma_start3A_130 : memref<128xi32, #tpu.memory_space<hbm>>) target(%arg5 : memref<128xi32, #tpu.memory_space<vmem>>) target_semaphore(%run_scoped3A : memref<!tpu.dma_semaphore, #tpu.memory_space<semaphore_mem>>)
      %dma_wait3A_131 = tpu.memref_slice %arg3[%add3A_114] : memref<65536xi32, #tpu.memory_space<hbm>> -> memref<128xi32, #tpu.memory_space<hbm>>
      %dma_wait3A_132 = tpu.memref_slice %arg3[%add3A_114] : memref<65536xi32, #tpu.memory_space<hbm>> -> memref<128xi32, #tpu.memory_space<hbm>>
      tpu.wait_dma2 semaphore(%run_scoped3A : memref<!tpu.dma_semaphore, #tpu.memory_space<semaphore_mem>>) src(%dma_wait3A_132 : memref<128xi32, #tpu.memory_space<hbm>>) dst(%arg5 : memref<128xi32, #tpu.memory_space<vmem>>)
      tpu.yield
    }) : () -> ()
    %dma_start3A_115 = arith.constant 0 : i32
    %dma_start3A_116 = arith.constant 0 : i32
    %dma_start3A_117 = tpu.memref_slice %arg2[%dma_start3A_115, %dma_start3A_116] : memref<1024x128xf32, #tpu.memory_space<hbm>> -> memref<1024x128xf32, #tpu.memory_space<hbm>>
    tpu.enqueue_indirect_dma source(%dma_start3A_117 : memref<1024x128xf32, #tpu.memory_space<hbm>>) target(%arg6 : memref<128x128xf32, #tpu.memory_space<vmem>>) offsets(%arg5 : memref<128xi32, #tpu.memory_space<vmem>>) semaphore(%arg7 : memref<!tpu.dma_semaphore, #tpu.memory_space<semaphore_mem>>)
    %dma_wait3A_118 = arith.constant 0 : i32
    %dma_wait3A_119 = arith.constant 0 : i32
    %dma_wait3A_120 = tpu.memref_slice %arg2[%dma_wait3A_118, %dma_wait3A_119] : memref<1024x128xf32, #tpu.memory_space<hbm>> -> memref<1024x128xf32, #tpu.memory_space<hbm>>
    tpu.wait_indirect_dma semaphore(%arg7 : memref<!tpu.dma_semaphore, #tpu.memory_space<semaphore_mem>>) src(%dma_wait3A_120 : memref<1024x128xf32, #tpu.memory_space<hbm>>) dst(%arg6 : memref<128x128xf32, #tpu.memory_space<vmem>>)
    "tpu.region"() ({
      %run_scoped3A = tpu.sem_alloc : memref<!tpu.dma_semaphore, #tpu.memory_space<semaphore_mem>>
      %dma_start3A_129 = arith.constant 0 : i32
      %dma_start3A_130 = tpu.memref_slice %arg4[%add3A_114, %dma_start3A_129] : memref<65536x128xf32, #tpu.memory_space<hbm>> -> memref<128x128xf32, #tpu.memory_space<hbm>>
      %dma_start3A_131 = arith.constant 0 : i32
      %dma_start3A_132 = tpu.memref_slice %arg4[%add3A_114, %dma_start3A_131] : memref<65536x128xf32, #tpu.memory_space<hbm>> -> memref<128x128xf32, #tpu.memory_space<hbm>>
      tpu.enqueue_dma source(%arg6 : memref<128x128xf32, #tpu.memory_space<vmem>>) target(%dma_start3A_132 : memref<128x128xf32, #tpu.memory_space<hbm>>) target_semaphore(%run_scoped3A : memref<!tpu.dma_semaphore, #tpu.memory_space<semaphore_mem>>)
      %dma_wait3A_133 = arith.constant 0 : i32
      %dma_wait3A_134 = tpu.memref_slice %arg4[%add3A_114, %dma_wait3A_133] : memref<65536x128xf32, #tpu.memory_space<hbm>> -> memref<128x128xf32, #tpu.memory_space<hbm>>
      %dma_wait3A_135 = arith.constant 0 : i32
      %dma_wait3A_136 = tpu.memref_slice %arg4[%add3A_114, %dma_wait3A_135] : memref<65536x128xf32, #tpu.memory_space<hbm>> -> memref<128x128xf32, #tpu.memory_space<hbm>>
      tpu.wait_dma2 semaphore(%run_scoped3A : memref<!tpu.dma_semaphore, #tpu.memory_space<semaphore_mem>>) src(%arg6 : memref<128x128xf32, #tpu.memory_space<vmem>>) dst(%dma_wait3A_136 : memref<128x128xf32, #tpu.memory_space<hbm>>)
      tpu.yield
    }) : () -> ()
    %add3A_121 = arith.constant 1920 : i32
    %add3A_122 = arith.addi %mul3A_2, %add3A_121 : i32
    "tpu.region"() ({
      %run_scoped3A = tpu.sem_alloc : memref<!tpu.dma_semaphore, #tpu.memory_space<semaphore_mem>>
      %dma_start3A_129 = tpu.memref_slice %arg3[%add3A_122] : memref<65536xi32, #tpu.memory_space<hbm>> -> memref<128xi32, #tpu.memory_space<hbm>>
      %dma_start3A_130 = tpu.memref_slice %arg3[%add3A_122] : memref<65536xi32, #tpu.memory_space<hbm>> -> memref<128xi32, #tpu.memory_space<hbm>>
      tpu.enqueue_dma source(%dma_start3A_130 : memref<128xi32, #tpu.memory_space<hbm>>) target(%arg5 : memref<128xi32, #tpu.memory_space<vmem>>) target_semaphore(%run_scoped3A : memref<!tpu.dma_semaphore, #tpu.memory_space<semaphore_mem>>)
      %dma_wait3A_131 = tpu.memref_slice %arg3[%add3A_122] : memref<65536xi32, #tpu.memory_space<hbm>> -> memref<128xi32, #tpu.memory_space<hbm>>
      %dma_wait3A_132 = tpu.memref_slice %arg3[%add3A_122] : memref<65536xi32, #tpu.memory_space<hbm>> -> memref<128xi32, #tpu.memory_space<hbm>>
      tpu.wait_dma2 semaphore(%run_scoped3A : memref<!tpu.dma_semaphore, #tpu.memory_space<semaphore_mem>>) src(%dma_wait3A_132 : memref<128xi32, #tpu.memory_space<hbm>>) dst(%arg5 : memref<128xi32, #tpu.memory_space<vmem>>)
      tpu.yield
    }) : () -> ()
    %dma_start3A_123 = arith.constant 0 : i32
    %dma_start3A_124 = arith.constant 0 : i32
    %dma_start3A_125 = tpu.memref_slice %arg2[%dma_start3A_123, %dma_start3A_124] : memref<1024x128xf32, #tpu.memory_space<hbm>> -> memref<1024x128xf32, #tpu.memory_space<hbm>>
    tpu.enqueue_indirect_dma source(%dma_start3A_125 : memref<1024x128xf32, #tpu.memory_space<hbm>>) target(%arg6 : memref<128x128xf32, #tpu.memory_space<vmem>>) offsets(%arg5 : memref<128xi32, #tpu.memory_space<vmem>>) semaphore(%arg7 : memref<!tpu.dma_semaphore, #tpu.memory_space<semaphore_mem>>)
    %dma_wait3A_126 = arith.constant 0 : i32
    %dma_wait3A_127 = arith.constant 0 : i32
    %dma_wait3A_128 = tpu.memref_slice %arg2[%dma_wait3A_126, %dma_wait3A_127] : memref<1024x128xf32, #tpu.memory_space<hbm>> -> memref<1024x128xf32, #tpu.memory_space<hbm>>
    tpu.wait_indirect_dma semaphore(%arg7 : memref<!tpu.dma_semaphore, #tpu.memory_space<semaphore_mem>>) src(%dma_wait3A_128 : memref<1024x128xf32, #tpu.memory_space<hbm>>) dst(%arg6 : memref<128x128xf32, #tpu.memory_space<vmem>>)
    "tpu.region"() ({
      %run_scoped3A = tpu.sem_alloc : memref<!tpu.dma_semaphore, #tpu.memory_space<semaphore_mem>>
      %dma_start3A_129 = arith.constant 0 : i32
      %dma_start3A_130 = tpu.memref_slice %arg4[%add3A_122, %dma_start3A_129] : memref<65536x128xf32, #tpu.memory_space<hbm>> -> memref<128x128xf32, #tpu.memory_space<hbm>>
      %dma_start3A_131 = arith.constant 0 : i32
      %dma_start3A_132 = tpu.memref_slice %arg4[%add3A_122, %dma_start3A_131] : memref<65536x128xf32, #tpu.memory_space<hbm>> -> memref<128x128xf32, #tpu.memory_space<hbm>>
      tpu.enqueue_dma source(%arg6 : memref<128x128xf32, #tpu.memory_space<vmem>>) target(%dma_start3A_132 : memref<128x128xf32, #tpu.memory_space<hbm>>) target_semaphore(%run_scoped3A : memref<!tpu.dma_semaphore, #tpu.memory_space<semaphore_mem>>)
      %dma_wait3A_133 = arith.constant 0 : i32
      %dma_wait3A_134 = tpu.memref_slice %arg4[%add3A_122, %dma_wait3A_133] : memref<65536x128xf32, #tpu.memory_space<hbm>> -> memref<128x128xf32, #tpu.memory_space<hbm>>
      %dma_wait3A_135 = arith.constant 0 : i32
      %dma_wait3A_136 = tpu.memref_slice %arg4[%add3A_122, %dma_wait3A_135] : memref<65536x128xf32, #tpu.memory_space<hbm>> -> memref<128x128xf32, #tpu.memory_space<hbm>>
      tpu.wait_dma2 semaphore(%run_scoped3A : memref<!tpu.dma_semaphore, #tpu.memory_space<semaphore_mem>>) src(%arg6 : memref<128x128xf32, #tpu.memory_space<vmem>>) dst(%dma_wait3A_136 : memref<128x128xf32, #tpu.memory_space<hbm>>)
      tpu.yield
    }) : () -> ()
    return
  }
}

module attributes {stable_mosaic.version = 14 : i64} {
  func.func @_vq_fast_kernel(%arg0: i32, %arg1: i32, %arg2: memref<1x64x4096xf32, #tpu.memory_space<vmem>>, %arg3: memref<1024x64xf32, #tpu.memory_space<vmem>>, %arg4: memref<1024x3xbf16, #tpu.memory_space<vmem>>, %arg5: memref<1024x1xf32, #tpu.memory_space<vmem>>, %arg6: memref<1x1x4096xi32, #tpu.memory_space<vmem>>, %arg7: memref<1x1x4096xf32, #tpu.memory_space<vmem>>, %arg8: memref<1x1x1xf32, #tpu.memory_space<vmem>>, %arg9: memref<1x1x1xf32, #tpu.memory_space<vmem>>, %arg10: memref<1x1x1xf32, #tpu.memory_space<vmem>>) attributes {dimension_semantics = [#tpu.dimension_semantics<parallel>, #tpu.dimension_semantics<parallel>], iteration_bounds = array<i64: 16, 1>, scalar_prefetch = 0 : i64, scratch_operands = 0 : i64, tpu.core_type = #tpu.core_type<tc>, window_params = [{transform_indices = @transform_0, window_bounds = array<i64: 1, 64, 4096>}, {pipeline_mode = #tpu.pipeline_mode<synchronous>, transform_indices = @transform_1, window_bounds = array<i64: 1024, 64>}, {pipeline_mode = #tpu.pipeline_mode<synchronous>, transform_indices = @transform_2, window_bounds = array<i64: 1024, 3>}, {pipeline_mode = #tpu.pipeline_mode<synchronous>, transform_indices = @transform_3, window_bounds = array<i64: 1024, 1>}, {transform_indices = @transform_4, window_bounds = array<i64: 1, 1, 4096>}, {transform_indices = @transform_5, window_bounds = array<i64: 1, 1, 4096>}, {transform_indices = @transform_6, window_bounds = array<i64: 1, 1, 1>}, {transform_indices = @transform_7, window_bounds = array<i64: 1, 1, 1>}, {transform_indices = @transform_8, window_bounds = array<i64: 1, 1, 1>}]} {
    %get3A = arith.constant 0 : index
    %get3A_0 = arith.constant 0 : index
    %get3A_1 = vector.load %arg4[%get3A, %get3A_0] : memref<1024x3xbf16, #tpu.memory_space<vmem>>, vector<1024x3xbf16>
    %get3A_2 = arith.constant 0 : index
    %get3A_3 = arith.constant 0 : index
    %get3A_4 = arith.constant 0 : index
    %get3A_5 = vector.load %arg2[%get3A_2, %get3A_3, %get3A_4] : memref<1x64x4096xf32, #tpu.memory_space<vmem>>, vector<1x64x4096xf32>
    %get3A_6 = vector.shape_cast %get3A_5 : vector<1x64x4096xf32> to vector<64x4096xf32>
    %get3A_7 = arith.constant 0 : index
    %get3A_8 = arith.constant 0 : index
    %get3A_9 = vector.load %arg3[%get3A_7, %get3A_8] : memref<1024x64xf32, #tpu.memory_space<vmem>>, vector<1024x64xf32>
    %get3A_10 = arith.constant 0 : index
    %get3A_11 = arith.constant 0 : index
    %get3A_12 = vector.load %arg5[%get3A_10, %get3A_11] : memref<1024x1xf32, #tpu.memory_space<vmem>>, vector<1024x1xf32>
    %mul3A = arith.mulf %get3A_6, %get3A_6 : vector<64x4096xf32>
    %reduce_sum3A = arith.constant dense<0.000000e+00> : vector<4096xf32>
    %reduce_sum3A_13 = vector.multi_reduction <add>, %mul3A, %reduce_sum3A [0] : vector<64x4096xf32> to vector<4096xf32>
    %broadcast_in_dim3A = vector.shape_cast %reduce_sum3A_13 : vector<4096xf32> to vector<1x4096xf32>
    %mul3A_14 = arith.constant -2.000000e+00 : f32
    %mul3A_15 = vector.broadcast %mul3A_14 : f32 to vector<64x4096xf32>
    %mul3A_16 = arith.mulf %mul3A_15, %get3A_6 : vector<64x4096xf32>
    %dot_general3A = arith.constant dense<0.000000e+00> : vector<1024x4096xf32>
    %dot_general3A_17 = tpu.matmul %get3A_9, %mul3A_16, %dot_general3A {dimension_numbers = #tpu.dot_dimension_numbers<[1], [0], [0], [1], [0, 0, 1, 1], [], []>, transpose_lhs_hint = false} : vector<1024x64xf32>, vector<64x4096xf32>, vector<1024x4096xf32> -> vector<1024x4096xf32>
    %add3A = vector.broadcast %broadcast_in_dim3A : vector<1x4096xf32> to vector<1024x4096xf32>
    %add3A_18 = arith.addf %add3A, %dot_general3A_17 : vector<1024x4096xf32>
    %add3A_19 = vector.broadcast %get3A_12 : vector<1024x1xf32> to vector<1024x4096xf32>
    %add3A_20 = arith.addf %add3A_18, %add3A_19 : vector<1024x4096xf32>
    %reduce_min3A = arith.constant dense<0x7F800000> : vector<4096xf32>
    %reduce_min3A_21 = vector.multi_reduction <minimumf>, %add3A_20, %reduce_min3A [0] : vector<1024x4096xf32> to vector<4096xf32>
    %broadcast_in_dim3A_22 = vector.shape_cast %reduce_min3A_21 : vector<4096xf32> to vector<1x4096xf32>
    %eq3A = vector.broadcast %broadcast_in_dim3A_22 : vector<1x4096xf32> to vector<1024x4096xf32>
    %eq3A_23 = arith.cmpf oeq, %add3A_20, %eq3A : vector<1024x4096xf32>
    %convert_element_type3A = arith.extui %eq3A_23 : vector<1024x4096xi1> to vector<1024x4096xi32>
    %convert_element_type3A_24 = arith.sitofp %convert_element_type3A : vector<1024x4096xi32> to vector<1024x4096xf32>
    %convert_element_type3A_25 = arith.truncf %convert_element_type3A_24 : vector<1024x4096xf32> to vector<1024x4096xbf16>
    %dot_general3A_26 = arith.constant dense<0.000000e+00> : vector<3x4096xf32>
    %dot_general3A_27 = tpu.matmul %get3A_1, %convert_element_type3A_25, %dot_general3A_26 {dimension_numbers = #tpu.dot_dimension_numbers<[0], [0], [1], [1], [0, 1, 1, 1], [], []>, transpose_lhs_hint = false} : vector<1024x3xbf16>, vector<1024x4096xbf16>, vector<3x4096xf32> -> vector<3x4096xf32>
    %slice3A = vector.extract_strided_slice %dot_general3A_27 {offsets = [0, 0], sizes = [1, 4096], strides = [1, 1]} : vector<3x4096xf32> to vector<1x4096xf32>
    %squeeze3A = vector.shape_cast %slice3A : vector<1x4096xf32> to vector<4096xf32>
    %slice3A_28 = vector.extract_strided_slice %dot_general3A_27 {offsets = [1, 0], sizes = [1, 4096], strides = [1, 1]} : vector<3x4096xf32> to vector<1x4096xf32>
    %squeeze3A_29 = vector.shape_cast %slice3A_28 : vector<1x4096xf32> to vector<4096xf32>
    %add3A_30 = arith.addf %squeeze3A, %squeeze3A_29 : vector<4096xf32>
    %convert_element_type3A_31 = arith.fptosi %add3A_30 : vector<4096xf32> to vector<4096xi32>
    %swap3A = arith.constant 0 : index
    %swap3A_32 = arith.constant 0 : index
    %swap3A_33 = arith.constant 0 : index
    %swap3A_34 = vector.load %arg6[%swap3A, %swap3A_32, %swap3A_33] : memref<1x1x4096xi32, #tpu.memory_space<vmem>>, vector<1x1x4096xi32>
    %swap3A_35 = vector.shape_cast %swap3A_34 : vector<1x1x4096xi32> to vector<4096xi32>
    %swap3A_36 = vector.shape_cast %convert_element_type3A_31 : vector<4096xi32> to vector<1x1x4096xi32>
    tpu.vector_store %arg6[%swap3A, %swap3A_32, %swap3A_33], %swap3A_36 {strides = array<i32>} : memref<1x1x4096xi32, #tpu.memory_space<vmem>>, vector<1x1x4096xi32>,
    %slice3A_37 = vector.extract_strided_slice %dot_general3A_27 {offsets = [2, 0], sizes = [1, 4096], strides = [1, 1]} : vector<3x4096xf32> to vector<1x4096xf32>
    %squeeze3A_38 = vector.shape_cast %slice3A_37 : vector<1x4096xf32> to vector<4096xf32>
    %swap3A_39 = arith.constant 0 : index
    %swap3A_40 = arith.constant 0 : index
    %swap3A_41 = arith.constant 0 : index
    %swap3A_42 = vector.load %arg7[%swap3A_39, %swap3A_40, %swap3A_41] : memref<1x1x4096xf32, #tpu.memory_space<vmem>>, vector<1x1x4096xf32>
    %swap3A_43 = vector.shape_cast %swap3A_42 : vector<1x1x4096xf32> to vector<4096xf32>
    %swap3A_44 = vector.shape_cast %squeeze3A_38 : vector<4096xf32> to vector<1x1x4096xf32>
    tpu.vector_store %arg7[%swap3A_39, %swap3A_40, %swap3A_41], %swap3A_44 {strides = array<i32>} : memref<1x1x4096xf32, #tpu.memory_space<vmem>>, vector<1x1x4096xf32>,
    %reduce_sum3A_45 = vector.shape_cast %broadcast_in_dim3A_22 : vector<1x4096xf32> to vector<1x1x4096xf32>
    %reduce_sum3A_46 = arith.constant dense<0.000000e+00> : vector<1xf32>
    %reduce_sum3A_47 = vector.multi_reduction <add>, %reduce_sum3A_45, %reduce_sum3A_46 [1, 2] : vector<1x1x4096xf32> to vector<1xf32>
    %reduce_sum3A_48 = vector.shape_cast %reduce_sum3A_47 : vector<1xf32> to vector<1x1x1xf32>
    %reduce_sum3A_49 = vector.extract %reduce_sum3A_48[0, 0, 0] : f32 from vector<1x1x1xf32>
    %reshape3A = vector.broadcast %reduce_sum3A_49 : f32 to vector<1x1x1xf32>
    %swap3A_50 = arith.constant 0 : index
    %swap3A_51 = arith.constant 0 : index
    %swap3A_52 = arith.constant 0 : index
    %swap3A_53 = vector.load %arg8[%swap3A_50, %swap3A_51, %swap3A_52] : memref<1x1x1xf32, #tpu.memory_space<vmem>>, vector<1x1x1xf32>
    tpu.vector_store %arg8[%swap3A_50, %swap3A_51, %swap3A_52], %reshape3A {strides = array<i32>} : memref<1x1x1xf32, #tpu.memory_space<vmem>>, vector<1x1x1xf32>,
    %reduce_sum3A_54 = vector.shape_cast %get3A_6 : vector<64x4096xf32> to vector<1x64x4096xf32>
    %reduce_sum3A_55 = arith.constant dense<0.000000e+00> : vector<1xf32>
    %reduce_sum3A_56 = vector.multi_reduction <add>, %reduce_sum3A_54, %reduce_sum3A_55 [1, 2] : vector<1x64x4096xf32> to vector<1xf32>
    %reduce_sum3A_57 = vector.shape_cast %reduce_sum3A_56 : vector<1xf32> to vector<1x1x1xf32>
    %reduce_sum3A_58 = vector.extract %reduce_sum3A_57[0, 0, 0] : f32 from vector<1x1x1xf32>
    %reshape3A_59 = vector.broadcast %reduce_sum3A_58 : f32 to vector<1x1x1xf32>
    %swap3A_60 = arith.constant 0 : index
    %swap3A_61 = arith.constant 0 : index
    %swap3A_62 = arith.constant 0 : index
    %swap3A_63 = vector.load %arg9[%swap3A_60, %swap3A_61, %swap3A_62] : memref<1x1x1xf32, #tpu.memory_space<vmem>>, vector<1x1x1xf32>
    tpu.vector_store %arg9[%swap3A_60, %swap3A_61, %swap3A_62], %reshape3A_59 {strides = array<i32>} : memref<1x1x1xf32, #tpu.memory_space<vmem>>, vector<1x1x1xf32>,
    %reduce_sum3A_64 = vector.shape_cast %broadcast_in_dim3A : vector<1x4096xf32> to vector<1x1x4096xf32>
    %reduce_sum3A_65 = arith.constant dense<0.000000e+00> : vector<1xf32>
    %reduce_sum3A_66 = vector.multi_reduction <add>, %reduce_sum3A_64, %reduce_sum3A_65 [1, 2] : vector<1x1x4096xf32> to vector<1xf32>
    %reduce_sum3A_67 = vector.shape_cast %reduce_sum3A_66 : vector<1xf32> to vector<1x1x1xf32>
    %reduce_sum3A_68 = vector.extract %reduce_sum3A_67[0, 0, 0] : f32 from vector<1x1x1xf32>
    %reshape3A_69 = vector.broadcast %reduce_sum3A_68 : f32 to vector<1x1x1xf32>
    %swap3A_70 = arith.constant 0 : index
    %swap3A_71 = arith.constant 0 : index
    %swap3A_72 = arith.constant 0 : index
    %swap3A_73 = vector.load %arg10[%swap3A_70, %swap3A_71, %swap3A_72] : memref<1x1x1xf32, #tpu.memory_space<vmem>>, vector<1x1x1xf32>
    tpu.vector_store %arg10[%swap3A_70, %swap3A_71, %swap3A_72], %reshape3A_69 {strides = array<i32>} : memref<1x1x1xf32, #tpu.memory_space<vmem>>, vector<1x1x1xf32>,
    return
  }
  func.func @transform_0(%arg0: i32, %arg1: i32) -> (i32, i32, i32) {
    %c0_i32 = arith.constant 0 : i32
    %c0_i32_0 = arith.constant 0 : i32
    return %arg0, %c0_i32, %arg1 : i32, i32, i32
  }
  func.func @transform_1(%arg0: i32, %arg1: i32) -> (i32, i32) {
    %c0_i32 = arith.constant 0 : i32
    %c0_i32_0 = arith.constant 0 : i32
    %c0_i32_1 = arith.constant 0 : i32
    return %c0_i32, %c0_i32_0 : i32, i32
  }
  func.func @transform_2(%arg0: i32, %arg1: i32) -> (i32, i32) {
    %c0_i32 = arith.constant 0 : i32
    %c0_i32_0 = arith.constant 0 : i32
    %c0_i32_1 = arith.constant 0 : i32
    return %c0_i32, %c0_i32_0 : i32, i32
  }
  func.func @transform_3(%arg0: i32, %arg1: i32) -> (i32, i32) {
    %c0_i32 = arith.constant 0 : i32
    %c0_i32_0 = arith.constant 0 : i32
    %c0_i32_1 = arith.constant 0 : i32
    return %c0_i32, %c0_i32_0 : i32, i32
  }
  func.func @transform_4(%arg0: i32, %arg1: i32) -> (i32, i32, i32) {
    %mul3A = arith.constant 1 : i32
    %mul3A_0 = arith.muli %arg0, %mul3A : i32
    %add3A = arith.addi %mul3A_0, %arg1 : i32
    %c0_i32 = arith.constant 0 : i32
    %c0_i32_1 = arith.constant 0 : i32
    %c0_i32_2 = arith.constant 0 : i32
    return %add3A, %c0_i32, %c0_i32_1 : i32, i32, i32
  }
  func.func @transform_5(%arg0: i32, %arg1: i32) -> (i32, i32, i32) {
    %mul3A = arith.constant 1 : i32
    %mul3A_0 = arith.muli %arg0, %mul3A : i32
    %add3A = arith.addi %mul3A_0, %arg1 : i32
    %c0_i32 = arith.constant 0 : i32
    %c0_i32_1 = arith.constant 0 : i32
    %c0_i32_2 = arith.constant 0 : i32
    return %add3A, %c0_i32, %c0_i32_1 : i32, i32, i32
  }
  func.func @transform_6(%arg0: i32, %arg1: i32) -> (i32, i32, i32) {
    %mul3A = arith.constant 1 : i32
    %mul3A_0 = arith.muli %arg0, %mul3A : i32
    %add3A = arith.addi %mul3A_0, %arg1 : i32
    %c0_i32 = arith.constant 0 : i32
    %c0_i32_1 = arith.constant 0 : i32
    %c0_i32_2 = arith.constant 0 : i32
    return %add3A, %c0_i32, %c0_i32_1 : i32, i32, i32
  }
  func.func @transform_7(%arg0: i32, %arg1: i32) -> (i32, i32, i32) {
    %mul3A = arith.constant 1 : i32
    %mul3A_0 = arith.muli %arg0, %mul3A : i32
    %add3A = arith.addi %mul3A_0, %arg1 : i32
    %c0_i32 = arith.constant 0 : i32
    %c0_i32_1 = arith.constant 0 : i32
    %c0_i32_2 = arith.constant 0 : i32
    return %add3A, %c0_i32, %c0_i32_1 : i32, i32, i32
  }
  func.func @transform_8(%arg0: i32, %arg1: i32) -> (i32, i32, i32) {
    %mul3A = arith.constant 1 : i32
    %mul3A_0 = arith.muli %arg0, %mul3A : i32
    %add3A = arith.addi %mul3A_0, %arg1 : i32
    %c0_i32 = arith.constant 0 : i32
    %c0_i32_1 = arith.constant 0 : i32
    %c0_i32_2 = arith.constant 0 : i32
    return %add3A, %c0_i32, %c0_i32_1 : i32, i32, i32
  }
}

module attributes {stable_mosaic.version = 14 : i64} {
  func.func @_vq_exact_kernel(%arg0: i32, %arg1: i32, %arg2: memref<1x64x4096xf32, #tpu.memory_space<vmem>>, %arg3: memref<1024x64xf32, #tpu.memory_space<vmem>>, %arg4: memref<1024x3xbf16, #tpu.memory_space<vmem>>, %arg5: memref<1024x1xf32, #tpu.memory_space<vmem>>, %arg6: memref<1x1x4096xi32, #tpu.memory_space<vmem>>) attributes {dimension_semantics = [#tpu.dimension_semantics<parallel>, #tpu.dimension_semantics<parallel>], iteration_bounds = array<i64: 16, 1>, scalar_prefetch = 0 : i64, scratch_operands = 0 : i64, tpu.core_type = #tpu.core_type<tc>, window_params = [{transform_indices = @transform_0, window_bounds = array<i64: 1, 64, 4096>}, {pipeline_mode = #tpu.pipeline_mode<synchronous>, transform_indices = @transform_1, window_bounds = array<i64: 1024, 64>}, {pipeline_mode = #tpu.pipeline_mode<synchronous>, transform_indices = @transform_2, window_bounds = array<i64: 1024, 3>}, {pipeline_mode = #tpu.pipeline_mode<synchronous>, transform_indices = @transform_3, window_bounds = array<i64: 1024, 1>}, {transform_indices = @transform_4, window_bounds = array<i64: 1, 1, 4096>}]} {
    %get3A = arith.constant 0 : index
    %get3A_0 = arith.constant 0 : index
    %get3A_1 = arith.constant 0 : index
    %get3A_2 = vector.load %arg2[%get3A, %get3A_0, %get3A_1] : memref<1x64x4096xf32, #tpu.memory_space<vmem>>, vector<1x64x4096xf32>
    %get3A_3 = vector.shape_cast %get3A_2 : vector<1x64x4096xf32> to vector<64x4096xf32>
    %get3A_4 = arith.constant 0 : index
    %get3A_5 = arith.constant 0 : index
    %get3A_6 = vector.load %arg3[%get3A_4, %get3A_5] : memref<1024x64xf32, #tpu.memory_space<vmem>>, vector<1024x64xf32>
    %get3A_7 = arith.constant 0 : index
    %get3A_8 = arith.constant 0 : index
    %get3A_9 = vector.load %arg5[%get3A_7, %get3A_8] : memref<1024x1xf32, #tpu.memory_space<vmem>>, vector<1024x1xf32>
    %mul3A = arith.mulf %get3A_3, %get3A_3 : vector<64x4096xf32>
    %reduce_sum3A = arith.constant dense<0.000000e+00> : vector<4096xf32>
    %reduce_sum3A_10 = vector.multi_reduction <add>, %mul3A, %reduce_sum3A [0] : vector<64x4096xf32> to vector<4096xf32>
    %broadcast_in_dim3A = vector.shape_cast %reduce_sum3A_10 : vector<4096xf32> to vector<1x4096xf32>
    %mul3A_11 = arith.constant -2.000000e+00 : f32
    %mul3A_12 = vector.broadcast %mul3A_11 : f32 to vector<64x4096xf32>
    %mul3A_13 = arith.mulf %mul3A_12, %get3A_3 : vector<64x4096xf32>
    %dot_general3A = arith.constant dense<0.000000e+00> : vector<1024x4096xf32>
    %dot_general3A_14 = tpu.matmul %get3A_6, %mul3A_13, %dot_general3A {dimension_numbers = #tpu.dot_dimension_numbers<[1], [0], [0], [1], [0, 0, 1, 1], [], []>, transpose_lhs_hint = false} : vector<1024x64xf32>, vector<64x4096xf32>, vector<1024x4096xf32> -> vector<1024x4096xf32>
    %add3A = vector.broadcast %broadcast_in_dim3A : vector<1x4096xf32> to vector<1024x4096xf32>
    %add3A_15 = arith.addf %add3A, %dot_general3A_14 : vector<1024x4096xf32>
    %add3A_16 = vector.broadcast %get3A_9 : vector<1024x1xf32> to vector<1024x4096xf32>
    %add3A_17 = arith.addf %add3A_15, %add3A_16 : vector<1024x4096xf32>
    %reduce_min3A = arith.constant dense<0x7F800000> : vector<4096xf32>
    %reduce_min3A_18 = vector.multi_reduction <minimumf>, %add3A_17, %reduce_min3A [0] : vector<1024x4096xf32> to vector<4096xf32>
    %broadcast_in_dim3A_19 = vector.shape_cast %reduce_min3A_18 : vector<4096xf32> to vector<1x4096xf32>
    %iota3A = tpu.iota {dimensions = array<i32: 0>} : vector<1024x4096xi32>
    %eq3A = vector.broadcast %broadcast_in_dim3A_19 : vector<1x4096xf32> to vector<1024x4096xf32>
    %eq3A_20 = arith.cmpf oeq, %add3A_17, %eq3A : vector<1024x4096xf32>
    %jit3A = arith.constant 1024 : i32
    %broadcast_in_dim3A_21 = vector.broadcast %jit3A : i32 to vector<1024x4096xi32>
    %select_n3A = arith.select %eq3A_20, %iota3A, %broadcast_in_dim3A_21 : vector<1024x4096xi1>, vector<1024x4096xi32>
    %reduce_min3A_22 = arith.constant dense<2147483647> : vector<4096xi32>
    %reduce_min3A_23 = vector.multi_reduction <minsi>, %select_n3A, %reduce_min3A_22 [0] : vector<1024x4096xi32> to vector<4096xi32>
    %swap3A = arith.constant 0 : index
    %swap3A_24 = arith.constant 0 : index
    %swap3A_25 = arith.constant 0 : index
    %swap3A_26 = vector.load %arg6[%swap3A, %swap3A_24, %swap3A_25] : memref<1x1x4096xi32, #tpu.memory_space<vmem>>, vector<1x1x4096xi32>
    %swap3A_27 = vector.shape_cast %swap3A_26 : vector<1x1x4096xi32> to vector<4096xi32>
    %swap3A_28 = vector.shape_cast %reduce_min3A_23 : vector<4096xi32> to vector<1x1x4096xi32>
    tpu.vector_store %arg6[%swap3A, %swap3A_24, %swap3A_25], %swap3A_28 {strides = array<i32>} : memref<1x1x4096xi32, #tpu.memory_space<vmem>>, vector<1x1x4096xi32>,
    return
  }
  func.func @transform_0(%arg0: i32, %arg1: i32) -> (i32, i32, i32) {
    %c0_i32 = arith.constant 0 : i32
    %c0_i32_0 = arith.constant 0 : i32
    return %arg0, %c0_i32, %arg1 : i32, i32, i32
  }
  func.func @transform_1(%arg0: i32, %arg1: i32) -> (i32, i32) {
    %c0_i32 = arith.constant 0 : i32
    %c0_i32_0 = arith.constant 0 : i32
    %c0_i32_1 = arith.constant 0 : i32
    return %c0_i32, %c0_i32_0 : i32, i32
  }
  func.func @transform_2(%arg0: i32, %arg1: i32) -> (i32, i32) {
    %c0_i32 = arith.constant 0 : i32
    %c0_i32_0 = arith.constant 0 : i32
    %c0_i32_1 = arith.constant 0 : i32
    return %c0_i32, %c0_i32_0 : i32, i32
  }
  func.func @transform_3(%arg0: i32, %arg1: i32) -> (i32, i32) {
    %c0_i32 = arith.constant 0 : i32
    %c0_i32_0 = arith.constant 0 : i32
    %c0_i32_1 = arith.constant 0 : i32
    return %c0_i32, %c0_i32_0 : i32, i32
  }
  func.func @transform_4(%arg0: i32, %arg1: i32) -> (i32, i32, i32) {
    %mul3A = arith.constant 1 : i32
    %mul3A_0 = arith.muli %arg0, %mul3A : i32
    %add3A = arith.addi %mul3A_0, %arg1 : i32
    %c0_i32 = arith.constant 0 : i32
    %c0_i32_1 = arith.constant 0 : i32
    %c0_i32_2 = arith.constant 0 : i32
    return %add3A, %c0_i32, %c0_i32_1 : i32, i32, i32
  }
}

</mosaic_0001>

<sc_bundles>
// kernel: kernel.4.cloned.1.call-start
scs
__scs_entry_jumppad:
0x0: {  	(pc) =	sbr.rel $0x88, $3  }
0x1: {  	(tag) =	ssettag $0x0;
	lr =	simm.s32 $0x1  }
0x2: {  	[smem:$0x3F9F] =	sst lr;
	_ =	strace $0xD0000000  }
0x3: {  	_ = 	snop  }
0x4: {  	_ = 	snop  }
0x5: {  	_ = 	snop  }
0x6: {  	_ = 	snop  }
0x7: {  	_ = 	snop  }
__scs_overlays_trampoline_lowered:
0x8: {  	[smem:$0x3FAE] =	sst s0  }
0x9: {  	[smem:$0x3FAF] =	sst s1  }
0xa: {  	[smem:$0x3FB0] =	sst s2  }
0xb: {  	[smem:$0x3FB1] =	sst s3  }
0xc: {  	[smem:$0x3FB2] =	sst s4  }
0xd: {  	[smem:$0x3FB3] =	sst s5  }
0xe: {  	[smem:$0x3FB4] =	sst s6  }
0xf: {  	[smem:$0x3FB5] =	sst s7  }
0x10: {  	[smem:$0x3FB6] =	sst s8  }
0x11: {  	[smem:$0x3FB7] =	sst s9;
	s0 =	simm.s32 @!p0 $0x0  }
0x12: {  	s1 =	sld [smem:$0x3F9D];
	s0 =	simm.s32 @p0 $0x1  }
0x13: {  	[smem:$0x3FB8] =	sst s0;
	s0 =	simm.s32 @!p1 $0x0  }
0x14: {  	s2 =	sld [smem:$0x3F9C];
	s0 =	simm.s32 @p1 $0x1  }
0x15: {  	[smem:$0x3FB9] =	sst s0;
	s0 =	simm.s32 @!p2 $0x0  }
0x16: {  	s3 =	sld [smem:$0x3FDB];
	s0 =	simm.s32 @p2 $0x1  }
0x17: {  	s4 =	simm.s32 $0x1BF5;
	[smem:$0x3FBB] =	sst s0  }
0x18: {  	s0 =	sld [smem:$0x3F9E];
	_ =	swait.ge [sflag:s4], $0x0  }
0x19: {  	s7 =	sld [smem:$0x3F9F]  }
0x1a: {  	s8 =	sadd.s32 $0xFFFFE003, lr  }
0x1b: {  	s9 =	sadd.s32 $0xFFFFFEF7, lr;
	s5 =	simm.s32 $0xFFFFFFFF;
	p2 =	slt.u32 s8, $0xFFFFF086  }
0x1c: {  	p1 =	slt.u32 s9, $0xF7A;
	s5 =	simm.s32 @!p2 $0x0  }
0x1d: {  	s5 =	simm.s32 @p1 $0x1;
	p0 =	seq.s32 s7, s2  }
0x1e: {  	s7 =	smul.u32 @!p0 $0xF7A, s2;
	p2 =	seq.s32 @!p0 s5, $0x0  }
0x1f: {  	s9 =	smul.u32 $0xF7A, s1;
	s8 =	simm.s32 @!p0 $0x1BF5;
	p2 =	por !p2, p0  }
0x20: {  	[sflag:s8] =	ssyncset.s32 @!p0 $0xFFFFF086;
	s6 =	sadd.s32 @!p0 s3, s7;
	s7 =	simm.s32 @!p0 $0x108  }
0x21: {  	s3 =	sadd.s32 s3, s9;
	s6 =	sadd.s32 @!p0 $0x88, s6;
	s7 =	simm.s32 @p2 $0x1082  }
0x22: {  	[simem:s7], [sflag:s8] =	dma.local @!p0 [hbm:s6], $0xF7A  }
0x23: {  	s9 =	sor.u32 $0xD0000000, s2;
	s6 =	simm.s32 $0x108;
	_ =	swait.ge @!p0 [sflag:s8], $0x0  }
0x24: {  	s3 =	sadd.s32 $0x88, s3;
	s6 =	simm.s32 @!p1 $0x1082;
	[sflag:s4] =	ssyncset.s32 $0xFFFFF086  }
0x25: {  	[simem:s6], [sflag:s4] =	dma.local [hbm:s3], $0xF7A  }
0x26: {  	[smem:$0x3F9F] =	sst s1;
	(tag) =	ssettag s2;
	_ =	strace s9  }
0x27: {  	s1 =	sld [smem:$0x3FAF]  }
0x28: {  	s2 =	sld [smem:$0x3FB0]  }
0x29: {  	s4 =	sld [smem:$0x3FB2]  }
0x2a: {  	p0 =	seq.s32 s5, $0x0;
	s5 =	sld [smem:$0x3FB3]  }
0x2b: {  	s6 =	sld [smem:$0x3FB4]  }
0x2c: {  	s7 =	sld [smem:$0x3FB5]  }
0x2d: {  	s3 =	simm.s32 $0x108;
	s8 =	sld [smem:$0x3FB6]  }
0x2e: {  	s3 =	simm.s32 @!p0 $0x1082;
	s9 =	sld [smem:$0x3FB7]  }
0x2f: {  	lr =	sadd.s32 s0, s3;
	s0 =	sld [smem:$0x3FAE]  }
0x30: {  	s3 =	sld [smem:$0x3FB1]  }
0x31: {  	[smem:$0x3FBA] =	sst s10  }
0x32: {  	s10 =	sld [smem:$0x3FB8];
	_ =	sdelay $0x3  }
0x33: {  	p0 =	seq.s32 s10, $0x1;
	s10 =	sld [smem:$0x3FBA];
	_ =	sdelay $0x3  }
0x34: {  	[smem:$0x3FBA] =	sst s10  }
0x35: {  	s10 =	sld [smem:$0x3FB9];
	_ =	sdelay $0x3  }
0x36: {  	p1 =	seq.s32 s10, $0x1;
	s10 =	sld [smem:$0x3FBA];
	_ =	sdelay $0x3  }
0x37: {  	[smem:$0x3FBA] =	sst s10  }
0x38: {  	s10 =	sld [smem:$0x3FBB]  }
0x39: {  	_ = 	snop;
	(pc) =	sbr.ind lr, $3  }
0x3a: {  	_ = 	snop  }
0x3b: {  	_ = 	snop  }
0x3c: {  	p2 =	seq.s32 s10, $0x1;
	s10 =	sld [smem:$0x3FBA]  }
0x3d: {  	_ =	shalt  }
0x3e: {  	_ =	shalt  }
0x3f: {  	_ =	shalt  }
0x40: {  	_ =	shalt  }
0x41: {  	_ =	shalt  }
0x42: {  	_ =	shalt  }
0x43: {  	_ =	shalt  }
0x44: {  	_ =	shalt  }
0x45: {  	_ =	shalt  }
0x46: {  	_ =	shalt  }
0x47: {  	_ =	shalt  }
0x48: {  	_ =	shalt  }
0x49: {  	_ =	shalt  }
0x4a: {  	_ =	shalt  }
0x4b: {  	_ =	shalt  }
0x4c: {  	_ =	shalt  }
0x4d: {  	_ =	shalt  }
0x4e: {  	_ =	shalt  }
0x4f: {  	_ =	shalt  }
0x50: {  	_ =	shalt  }
0x51: {  	_ =	shalt  }
0x52: {  	_ =	shalt  }
0x53: {  	_ =	shalt  }
0x54: {  	_ =	shalt  }
0x55: {  	_ =	shalt  }
0x56: {  	_ =	shalt  }
0x57: {  	_ =	shalt  }
0x58: {  	_ =	shalt  }
0x59: {  	_ =	shalt  }
0x5a: {  	_ =	shalt  }
0x5b: {  	_ =	shalt  }
0x5c: {  	_ =	shalt  }
0x5d: {  	_ =	shalt  }
0x5e: {  	_ =	shalt  }
0x5f: {  	_ =	shalt  }
0x60: {  	_ =	shalt  }
0x61: {  	_ =	shalt  }
0x62: {  	_ =	shalt  }
0x63: {  	_ =	shalt  }
0x64: {  	_ =	shalt  }
0x65: {  	_ =	shalt  }
0x66: {  	_ =	shalt  }
0x67: {  	_ =	shalt  }
0x68: {  	_ =	shalt  }
0x69: {  	_ =	shalt  }
0x6a: {  	_ =	shalt  }
0x6b: {  	_ =	shalt  }
0x6c: {  	_ =	shalt  }
0x6d: {  	_ =	shalt  }
0x6e: {  	_ =	shalt  }
0x6f: {  	_ =	shalt  }
0x70: {  	_ =	shalt  }
0x71: {  	_ =	shalt  }
0x72: {  	_ =	shalt  }
0x73: {  	_ =	shalt  }
0x74: {  	_ =	shalt  }
0x75: {  	_ =	shalt  }
0x76: {  	_ =	shalt  }
0x77: {  	_ =	shalt  }
0x78: {  	_ =	shalt  }
0x79: {  	_ =	shalt  }
0x7a: {  	_ =	shalt  }
0x7b: {  	_ =	shalt  }
0x7c: {  	_ =	shalt  }
0x7d: {  	_ =	shalt  }
0x7e: {  	_ =	shalt  }
0x7f: {  	_ =	shalt  }
0x80: {  	_ =	shalt  }
0x81: {  	_ =	shalt  }
0x82: {  	_ =	shalt  }
0x83: {  	_ =	shalt  }
0x84: {  	_ =	shalt  }
0x85: {  	_ =	shalt  }
0x86: {  	_ =	shalt  }
0x87: {  	_ =	shalt  }
.Lfunc_end0:
.L_simem_size_0:
called_computation_lowered:
.L_overlay_start_0:
0x88: {  	s2 =	sld [smem:$0x3FD9]  }
0x89: {  	s3 =	sld [smem:$0x3FFE];
	_ =	sdelay $0x1  }
0x8a: {  	s1 =	srdreg.scid  }
0x8b: {  	s0 =	sand.u32 $0x1, s1  }
0x8c: {  	s14 =	sshll.u32 s0, $0xA;
	s2 =	sadd.s32 s3, s2  }
0x8d: {  	s2 =	sadd.s32 s2, s14  }
0x8e: {  	[smem:$0x3FC6] =	sst s2  }
0x8f: {  	_ = 	snop  }
0x90: {  	s2 =	sld [smem:$0x3FD0];
	_ =	sdelay $0x2  }
0x91: {  	s15 =	simm.s32 $0xA;
	s4 =	simm.s32 $0x10  }
0x92: {  	[smem:s4], [sflag:s15] =	dma.local [hbm:s2], $0x1  }
0x93: {  	_ =	swait.eq [sflag:s15], $0x1  }
0x94: {  	[sflag:s15] =	ssyncset.done $0x0  }
0x95: {  	[sflag:s15] =	ssyncadd.s32 $0xFFFFFFFF  }
0x96: {  	s16 =	sld [smem:$0x10];
	(tm) =	ssettm $0x1  }
0x97: {  	s17 =	sld [smem:$0x3FFB];
	_ =	sdelay $0x3  }
0x98: {  	_ =	strace s17  }
0x99: {  	s3 =	sld [smem:$0x3FFC];
	_ =	sdelay $0x3  }
0x9a: {  	_ =	strace s3  }
0x9b: {  	s3 =	sld [smem:$0x3FFD];
	_ =	sdelay $0x3  }
0x9c: {  	_ =	strace s3  }
0x9d: {  	_ =	strace $0x8FFFFFFF  }
0x9e: {  	s18 =	sld [smem:$0x3FDB];
	_ =	sdelay $0x1  }
0x9f: {  	s19 =	simm.s32 $_scs_section_size  }
0xa0: {  	s5 =	simm.s32 $_size__tile_overlayer_lowered;
	s6 =	simm.s32 $_tile_overlayer_lowered  }
0xa1: {  	s22 =	simm.s32 $0x1BFF;
	s21 =	sshll.u32 s6, $0x1;
	s3 =	sadd.s32 s19, s18  }
0xa2: {  	s7 =	simm.s32 $0x0;
	s20 =	sshll.u32 s5, $0x1;
	s5 =	sadd.s32 s21, s3  }
0xa3: {  	[timem:s7], [sflag:s22] =	dma.local [hbm:s5], s20  }
0xa4: {  	_ =	swait.ge [sflag:s22], s20  }
0xa5: {  	s4 =	ssub.s32 $0x0, s20;
	[sflag:s22] =	ssyncset.done $0x0  }
0xa6: {  	[sflag:s22] =	ssyncadd.s32 s4;
	_ =	sdelay $0x1  }
0xa7: {  	s23 =	simm.s32 $0x1B8B  }
0xa8: {  	_ =	swait.ge [sflag:s23], $0x1  }
0xa9: {  	[sflag:s23] =	ssyncset.done $0x0  }
0xaa: {  	s25 =	simm.s32 $0x1B8E;
	s24 =	sld [smem:$0x3FFE];
	[sflag:s23] =	ssyncadd.s32 $0xFFFFFFFF  }
0xab: {  	s26 =	simm.s32 $execute0_lowered;
	[smem:$0x3FD2] =	sst s25  }
0xac: {  	s5 =	sshll.u32 s26, $0x1;
	_ =	strace $0x80000046;
	[dreg:$0x1] =	wrdreg $0xFFFFFFFF  }
0xad: {  	s28 =	simm.s32 $_size_execute0_lowered;
	s3 =	sadd.s32 s3, s5;
	[dreg:$0x0] =	wrdreg $0x0  }
0xae: {  	s5 =	sshll.u32 s28, $0x1;
	[dreg:$0x2] =	wrdreg s3  }
0xaf: {  	[dreg:$0x3] =	wrdreg s5  }
0xb0: {  	[dreg:$0x4] =	wrdreg $0xC0  }
0xb1: {  	_ =	task [dreg:s7], $0x5FFFF  }
0xb2: {  	[dreg:$0x1] =	wrdreg $0xFFFFFFFF  }
0xb3: {  	[dreg:$0x0] =	wrdreg $0x60  }
0xb4: {  	[dreg:$0x2] =	wrdreg s16  }
0xb5: {  	[dreg:$0x3] =	wrdreg s24  }
0xb6: {  	[dreg:$0x4] =	wrdreg $0x9  }
0xb7: {  	_ =	task.clear_ibuf [dreg:s7], $0x5FFFF;
	_ =	strace $0x90000046  }
0xb8: {  	s29 =	simm.s32 $0x9;
	_ =	strace $0x80000048  }
0xb9: {  	_ =	swait.ge [sflag:s29], $0x1  }
0xba: {  	[sflag:s29] =	ssyncadd.s32 $0xFFFFFFFF  }
0xbb: {  	_ =	strace $0x90000048  }
0xbc: {  	_ =	sfence  }
0xbd: {  	s30 =	sld [smem:$0x0];
	_ =	sdelay $0x2  }
0xbe: {  	s31 =	sshll.u32 s1, $0xD;
	s1 =	sshrl.u32 s1, $0x2  }
0xbf: {  	s3 =	sand.u32 $0x4000, s31;
	s1 =	sadd.s32 s1, s30  }
0xc0: {  	s0 =	sor.u32 s3, s0;
	s1 =	sshll.u32 s1, $0x11  }
0xc1: {  	s0 =	sor.u32 s1, s0  }
0xc2: {  	s0 =	sadd.s32 $0x8F2B, s0  }
0xc3: {  	[sflag:s0] =	ssyncadd.remote.s32 $0x1  }
0xc4: {  	_ =	sfence.sel $0xFFFF  }
0xc5: {  	[dreg:$0x0] =	wrdreg $0xFFFFFFFF;
	(pc) =	sbr.abs _section_cstart, $3  }
0xc6: {  	[dreg:$0x1] =	wrdreg $0xFFFFFFFF  }
0xc7: {  	_ =	task.clear_ibuf [dreg:s7], $0x2FFFF;
	_ =	strace $0x9FFFFFFF  }
0xc8: {  	(tm) =	ssettm $0x7FFFFFFF  }
0xc9: {  	_ =	shalt  }
tec
execute0_lowered:
.L_overlay_start_1:
0x0: {  	(tag) =	ssettag $0x1  }
0x1: {  	s2 =	rddreg [dreg:$0x0]  }
0x2: {  	s30 =	rddreg [dreg:$0x1];
	s0 =	srdreg.scid;
	s3 =	simm.s32 $0x0  }
0x3: {  	s1 =	stileid.u32;
	s4 =	sand.u32 $0x1, s0;
	[smem:$0x7FF] =	sst s3  }
0x4: {  	s5 =	sshll.u32 s1, $0xC;
	[dreg:$0xb] =	wrdreg s4;
	s6 =	sshll.u32 s4, $0xB  }
0x5: {  	s0 =	sadd.s32 $0x2000, s30;
	s1 =	sor.u32 s6, s5;
	_ =	strace $0x80000047  }
0x6: {  	[dreg:$0xc] =	wrdreg s0;
	s7 =	sshrl.u32 s1, $0x3;
	s5 =	sshll.u32 s1, $0x4  }
0x7: {  	s9 =	sor.u32 $0x80, s1;
	s6 =	sor.u32 $0x100, s1;
	s4 =	sadd.s32 s30, s7  }
0x8: {  	s8 =	sadd.s32 s0, s5;
	s10 =	sshrl.u32 s9, $0x3;
	[dreg:$0x3] =	wrdreg s4  }
0x9: {  	s5 =	sshll.u32 s9, $0x4;
	[dreg:$0x4] =	wrdreg s8;
	s4 =	sadd.s32 s30, s10  }
0xa: {  	s12 =	sshrl.u32 s6, $0x3;
	s11 =	sadd.s32 s0, s5;
	[dreg:$0x5] =	wrdreg s4  }
0xb: {  	s14 =	sshll.u32 s6, $0x4;
	s13 =	sadd.s32 s30, s12;
	[dreg:$0x6] =	wrdreg s11  }
0xc: {  	s16 =	sor.u32 $0x180, s1;
	s15 =	sadd.s32 s0, s14;
	[dreg:$0x7] =	wrdreg s13  }
0xd: {  	s17 =	sshrl.u32 s16, $0x3;
	[dreg:$0x8] =	wrdreg s15  }
0xe: {  	s5 =	sshll.u32 s16, $0x4;
	s4 =	sadd.s32 s30, s17;
	s18 =	rddreg [dreg:$0x3]  }
0xf: {  	s19 =	sadd.s32 s0, s5;
	[dreg:$0x9] =	wrdreg s4  }
0x10: {  	[dreg:$0xa] =	wrdreg s19;
	s4 =	simm.s32 $0x2  }
0x11: {  	[tilespmem:s3], [sflag:$0x2] =	stream.linear.gather [hbm4b:s18+s3], $0x80, $0x38;
	[tilespmem:$0x4080] =	vst v63  }
0x12: {  	_ =	swait.ge [sflag:s4], $0x80  }
0x13: {  	[sflag:s4] =	ssyncset.done $0x0  }
0x14: {  	s6 =	simm.s32 $0x1;
	s5 =	simm.s32 $0x80;
	[sflag:s4] =	ssyncadd.s32 $0xFFFFFF80  }
0x15: {  	[tilespmem:s5], [sflag:$0x1] =	stream.indirect.gather [hbm4b:s2+s5], $0x80, s3, s5, $0xb8;
	[tilespmem:$0x4080] =	vst v63  }
0x16: {  	_ =	swait.ge [sflag:s6], $0x4000  }
0x17: {  	[sflag:s6] =	ssyncset.done $0x0  }
0x18: {  	s7 =	rddreg [dreg:$0x4];
	[sflag:s6] =	ssyncadd.s32 $0xFFFFC000  }
0x19: {  	[hbm4b:s7+s3] =	stream.linear.scatter [tilespmem:s5], [sflag:$0x2], $0x4000, $0x38;
	[tilespmem:$0x4080] =	vst v63  }
0x1a: {  	_ =	swait.ge [sflag:s4], $0x4000  }
0x1b: {  	[sflag:s4] =	ssyncset.done $0x0  }
0x1c: {  	s20 =	rddreg [dreg:$0x5];
	[sflag:s4] =	ssyncadd.s32 $0xFFFFC000  }
0x1d: {  	[tilespmem:s3], [sflag:$0x2] =	stream.linear.gather [hbm4b:s20+s3], $0x80, $0x38;
	[tilespmem:$0x4080] =	vst v63  }
0x1e: {  	_ =	swait.ge [sflag:s4], $0x80  }
0x1f: {  	[sflag:s4] =	ssyncset.done $0x0  }
0x20: {  	[sflag:s4] =	ssyncadd.s32 $0xFFFFFF80  }
0x21: {  	[tilespmem:s5], [sflag:$0x1] =	stream.indirect.gather [hbm4b:s2+s5], $0x80, s3, s5, $0xb8;
	[tilespmem:$0x4080] =	vst v63  }
0x22: {  	_ =	swait.ge [sflag:s6], $0x4000  }
0x23: {  	[sflag:s6] =	ssyncset.done $0x0  }
0x24: {  	s21 =	rddreg [dreg:$0x6];
	[sflag:s6] =	ssyncadd.s32 $0xFFFFC000  }
0x25: {  	[hbm4b:s21+s3] =	stream.linear.scatter [tilespmem:s5], [sflag:$0x2], $0x4000, $0x38;
	[tilespmem:$0x4080] =	vst v63  }
0x26: {  	_ =	swait.ge [sflag:s4], $0x4000  }
0x27: {  	[sflag:s4] =	ssyncset.done $0x0  }
0x28: {  	s22 =	rddreg [dreg:$0x7];
	[sflag:s4] =	ssyncadd.s32 $0xFFFFC000  }
0x29: {  	[tilespmem:s3], [sflag:$0x2] =	stream.linear.gather [hbm4b:s22+s3], $0x80, $0x38;
	[tilespmem:$0x4080] =	vst v63  }
0x2a: {  	_ =	swait.ge [sflag:s4], $0x80  }
0x2b: {  	[sflag:s4] =	ssyncset.done $0x0  }
0x2c: {  	[sflag:s4] =	ssyncadd.s32 $0xFFFFFF80  }
0x2d: {  	[tilespmem:s5], [sflag:$0x1] =	stream.indirect.gather [hbm4b:s2+s5], $0x80, s3, s5, $0xb8;
	[tilespmem:$0x4080] =	vst v63  }
0x2e: {  	_ =	swait.ge [sflag:s6], $0x4000  }
0x2f: {  	[sflag:s6] =	ssyncset.done $0x0  }
0x30: {  	s23 =	rddreg [dreg:$0x8];
	[sflag:s6] =	ssyncadd.s32 $0xFFFFC000  }
0x31: {  	[hbm4b:s23+s3] =	stream.linear.scatter [tilespmem:s5], [sflag:$0x2], $0x4000, $0x38;
	[tilespmem:$0x4080] =	vst v63  }
0x32: {  	_ =	swait.ge [sflag:s4], $0x4000  }
0x33: {  	[sflag:s4] =	ssyncset.done $0x0  }
0x34: {  	s24 =	rddreg [dreg:$0x9];
	[sflag:s4] =	ssyncadd.s32 $0xFFFFC000  }
0x35: {  	[tilespmem:s3], [sflag:$0x2] =	stream.linear.gather [hbm4b:s24+s3], $0x80, $0x38;
	[tilespmem:$0x4080] =	vst v63  }
0x36: {  	_ =	swait.ge [sflag:s4], $0x80  }
0x37: {  	[sflag:s4] =	ssyncset.done $0x0  }
0x38: {  	[sflag:s4] =	ssyncadd.s32 $0xFFFFFF80  }
0x39: {  	[tilespmem:s5], [sflag:$0x1] =	stream.indirect.gather [hbm4b:s2+s5], $0x80, s3, s5, $0xb8;
	[tilespmem:$0x4080] =	vst v63  }
0x3a: {  	_ =	swait.ge [sflag:s6], $0x4000  }
0x3b: {  	[sflag:s6] =	ssyncset.done $0x0  }
0x3c: {  	s25 =	rddreg [dreg:$0xa];
	[sflag:s6] =	ssyncadd.s32 $0xFFFFC000  }
0x3d: {  	[hbm4b:s25+s3] =	stream.linear.scatter [tilespmem:s5], [sflag:$0x2], $0x4000, $0x38;
	[tilespmem:$0x4080] =	vst v63  }
0x3e: {  	s8 =	sor.u32 $0x200, s1;
	_ =	swait.ge [sflag:s4], $0x4000  }
0x3f: {  	s26 =	sshrl.u32 s8, $0x3;
	[sflag:s4] =	ssyncset.done $0x0  }
0x40: {  	s7 =	sadd.s32 s30, s26;
	[sflag:s4] =	ssyncadd.s32 $0xFFFFC000  }
0x41: {  	[tilespmem:s3], [sflag:$0x2] =	stream.linear.gather [hbm4b:s7+s3], $0x80, $0x38;
	[tilespmem:$0x4080] =	vst v63  }
0x42: {  	_ =	swait.ge [sflag:s4], $0x80  }
0x43: {  	[sflag:s4] =	ssyncset.done $0x0  }
0x44: {  	[sflag:s4] =	ssyncadd.s32 $0xFFFFFF80  }
0x45: {  	[tilespmem:s5], [sflag:$0x1] =	stream.indirect.gather [hbm4b:s2+s5], $0x80, s3, s5, $0xb8;
	[tilespmem:$0x4080] =	vst v63  }
0x46: {  	_ =	swait.ge [sflag:s6], $0x4000  }
0x47: {  	s8 =	sshll.u32 s8, $0x4;
	[sflag:s6] =	ssyncset.done $0x0  }
0x48: {  	s8 =	sadd.s32 s0, s8;
	[sflag:s6] =	ssyncadd.s32 $0xFFFFC000  }
0x49: {  	[hbm4b:s8+s3] =	stream.linear.scatter [tilespmem:s5], [sflag:$0x2], $0x4000, $0x38;
	[tilespmem:$0x4080] =	vst v63  }
0x4a: {  	s10 =	sor.u32 $0x280, s1;
	_ =	swait.ge [sflag:s4], $0x4000  }
0x4b: {  	s9 =	sshrl.u32 s10, $0x3;
	[sflag:s4] =	ssyncset.done $0x0  }
0x4c: {  	s9 =	sadd.s32 s30, s9;
	[sflag:s4] =	ssyncadd.s32 $0xFFFFC000  }
0x4d: {  	[tilespmem:s3], [sflag:$0x2] =	stream.linear.gather [hbm4b:s9+s3], $0x80, $0x38;
	[tilespmem:$0x4080] =	vst v63  }
0x4e: {  	_ =	swait.ge [sflag:s4], $0x80  }
0x4f: {  	[sflag:s4] =	ssyncset.done $0x0  }
0x50: {  	[sflag:s4] =	ssyncadd.s32 $0xFFFFFF80  }
0x51: {  	[tilespmem:s5], [sflag:$0x1] =	stream.indirect.gather [hbm4b:s2+s5], $0x80, s3, s5, $0xb8;
	[tilespmem:$0x4080] =	vst v63  }
0x52: {  	_ =	swait.ge [sflag:s6], $0x4000  }
0x53: {  	s10 =	sshll.u32 s10, $0x4;
	[sflag:s6] =	ssyncset.done $0x0  }
0x54: {  	s10 =	sadd.s32 s0, s10;
	[sflag:s6] =	ssyncadd.s32 $0xFFFFC000  }
0x55: {  	[hbm4b:s10+s3] =	stream.linear.scatter [tilespmem:s5], [sflag:$0x2], $0x4000, $0x38;
	[tilespmem:$0x4080] =	vst v63  }
0x56: {  	s12 =	sor.u32 $0x300, s1;
	_ =	swait.ge [sflag:s4], $0x4000  }
0x57: {  	s11 =	sshrl.u32 s12, $0x3;
	[sflag:s4] =	ssyncset.done $0x0  }
0x58: {  	s11 =	sadd.s32 s30, s11;
	[sflag:s4] =	ssyncadd.s32 $0xFFFFC000  }
0x59: {  	[tilespmem:s3], [sflag:$0x2] =	stream.linear.gather [hbm4b:s11+s3], $0x80, $0x38;
	[tilespmem:$0x4080] =	vst v63  }
0x5a: {  	_ =	swait.ge [sflag:s4], $0x80  }
0x5b: {  	[sflag:s4] =	ssyncset.done $0x0  }
0x5c: {  	[sflag:s4] =	ssyncadd.s32 $0xFFFFFF80  }
0x5d: {  	[tilespmem:s5], [sflag:$0x1] =	stream.indirect.gather [hbm4b:s2+s5], $0x80, s3, s5, $0xb8;
	[tilespmem:$0x4080] =	vst v63  }
0x5e: {  	_ =	swait.ge [sflag:s6], $0x4000  }
0x5f: {  	s12 =	sshll.u32 s12, $0x4;
	[sflag:s6] =	ssyncset.done $0x0  }
0x60: {  	s12 =	sadd.s32 s0, s12;
	[sflag:s6] =	ssyncadd.s32 $0xFFFFC000  }
0x61: {  	[hbm4b:s12+s3] =	stream.linear.scatter [tilespmem:s5], [sflag:$0x2], $0x4000, $0x38;
	[tilespmem:$0x4080] =	vst v63  }
0x62: {  	s14 =	sor.u32 $0x380, s1;
	_ =	swait.ge [sflag:s4], $0x4000  }
0x63: {  	s13 =	sshrl.u32 s14, $0x3;
	[sflag:s4] =	ssyncset.done $0x0  }
0x64: {  	s13 =	sadd.s32 s30, s13;
	[sflag:s4] =	ssyncadd.s32 $0xFFFFC000  }
0x65: {  	[tilespmem:s3], [sflag:$0x2] =	stream.linear.gather [hbm4b:s13+s3], $0x80, $0x38;
	[tilespmem:$0x4080] =	vst v63  }
0x66: {  	_ =	swait.ge [sflag:s4], $0x80  }
0x67: {  	[sflag:s4] =	ssyncset.done $0x0  }
0x68: {  	[sflag:s4] =	ssyncadd.s32 $0xFFFFFF80  }
0x69: {  	[tilespmem:s5], [sflag:$0x1] =	stream.indirect.gather [hbm4b:s2+s5], $0x80, s3, s5, $0xb8;
	[tilespmem:$0x4080] =	vst v63  }
0x6a: {  	_ =	swait.ge [sflag:s6], $0x4000  }
0x6b: {  	s14 =	sshll.u32 s14, $0x4;
	[sflag:s6] =	ssyncset.done $0x0  }
0x6c: {  	s14 =	sadd.s32 s0, s14;
	[sflag:s6] =	ssyncadd.s32 $0xFFFFC000  }
0x6d: {  	[hbm4b:s14+s3] =	stream.linear.scatter [tilespmem:s5], [sflag:$0x2], $0x4000, $0x38;
	[tilespmem:$0x4080] =	vst v63  }
0x6e: {  	s16 =	sor.u32 $0x400, s1;
	_ =	swait.ge [sflag:s4], $0x4000  }
0x6f: {  	s15 =	sshrl.u32 s16, $0x3;
	[sflag:s4] =	ssyncset.done $0x0  }
0x70: {  	s15 =	sadd.s32 s30, s15;
	[sflag:s4] =	ssyncadd.s32 $0xFFFFC000  }
0x71: {  	[tilespmem:s3], [sflag:$0x2] =	stream.linear.gather [hbm4b:s15+s3], $0x80, $0x38;
	[tilespmem:$0x4080] =	vst v63  }
0x72: {  	_ =	swait.ge [sflag:s4], $0x80  }
0x73: {  	[sflag:s4] =	ssyncset.done $0x0  }
0x74: {  	[sflag:s4] =	ssyncadd.s32 $0xFFFFFF80  }
0x75: {  	[tilespmem:s5], [sflag:$0x1] =	stream.indirect.gather [hbm4b:s2+s5], $0x80, s3, s5, $0xb8;
	[tilespmem:$0x4080] =	vst v63  }
0x76: {  	_ =	swait.ge [sflag:s6], $0x4000  }
0x77: {  	s16 =	sshll.u32 s16, $0x4;
	[sflag:s6] =	ssyncset.done $0x0  }
0x78: {  	s16 =	sadd.s32 s0, s16;
	[sflag:s6] =	ssyncadd.s32 $0xFFFFC000  }
0x79: {  	[hbm4b:s16+s3] =	stream.linear.scatter [tilespmem:s5], [sflag:$0x2], $0x4000, $0x38;
	[tilespmem:$0x4080] =	vst v63  }
0x7a: {  	s18 =	sor.u32 $0x480, s1;
	_ =	swait.ge [sflag:s4], $0x4000  }
0x7b: {  	s17 =	sshrl.u32 s18, $0x3;
	[sflag:s4] =	ssyncset.done $0x0  }
0x7c: {  	s17 =	sadd.s32 s30, s17;
	[sflag:s4] =	ssyncadd.s32 $0xFFFFC000  }
0x7d: {  	[tilespmem:s3], [sflag:$0x2] =	stream.linear.gather [hbm4b:s17+s3], $0x80, $0x38;
	[tilespmem:$0x4080] =	vst v63  }
0x7e: {  	_ =	swait.ge [sflag:s4], $0x80  }
0x7f: {  	[sflag:s4] =	ssyncset.done $0x0  }
0x80: {  	[sflag:s4] =	ssyncadd.s32 $0xFFFFFF80  }
0x81: {  	[tilespmem:s5], [sflag:$0x1] =	stream.indirect.gather [hbm4b:s2+s5], $0x80, s3, s5, $0xb8;
	[tilespmem:$0x4080] =	vst v63  }
0x82: {  	_ =	swait.ge [sflag:s6], $0x4000  }
0x83: {  	s18 =	sshll.u32 s18, $0x4;
	[sflag:s6] =	ssyncset.done $0x0  }
0x84: {  	s18 =	sadd.s32 s0, s18;
	[sflag:s6] =	ssyncadd.s32 $0xFFFFC000  }
0x85: {  	[hbm4b:s18+s3] =	stream.linear.scatter [tilespmem:s5], [sflag:$0x2], $0x4000, $0x38;
	[tilespmem:$0x4080] =	vst v63  }
0x86: {  	s20 =	sor.u32 $0x500, s1;
	_ =	swait.ge [sflag:s4], $0x4000  }
0x87: {  	s19 =	sshrl.u32 s20, $0x3;
	[sflag:s4] =	ssyncset.done $0x0  }
0x88: {  	s19 =	sadd.s32 s30, s19;
	[sflag:s4] =	ssyncadd.s32 $0xFFFFC000  }
0x89: {  	[tilespmem:s3], [sflag:$0x2] =	stream.linear.gather [hbm4b:s19+s3], $0x80, $0x38;
	[tilespmem:$0x4080] =	vst v63  }
0x8a: {  	_ =	swait.ge [sflag:s4], $0x80  }
0x8b: {  	[sflag:s4] =	ssyncset.done $0x0  }
0x8c: {  	[sflag:s4] =	ssyncadd.s32 $0xFFFFFF80  }
0x8d: {  	[tilespmem:s5], [sflag:$0x1] =	stream.indirect.gather [hbm4b:s2+s5], $0x80, s3, s5, $0xb8;
	[tilespmem:$0x4080] =	vst v63  }
0x8e: {  	_ =	swait.ge [sflag:s6], $0x4000  }
0x8f: {  	s20 =	sshll.u32 s20, $0x4;
	[sflag:s6] =	ssyncset.done $0x0  }
0x90: {  	s20 =	sadd.s32 s0, s20;
	[sflag:s6] =	ssyncadd.s32 $0xFFFFC000  }
0x91: {  	[hbm4b:s20+s3] =	stream.linear.scatter [tilespmem:s5], [sflag:$0x2], $0x4000, $0x38;
	[tilespmem:$0x4080] =	vst v63  }
0x92: {  	s22 =	sor.u32 $0x580, s1;
	_ =	swait.ge [sflag:s4], $0x4000  }
0x93: {  	s21 =	sshrl.u32 s22, $0x3;
	[sflag:s4] =	ssyncset.done $0x0  }
0x94: {  	s21 =	sadd.s32 s30, s21;
	[sflag:s4] =	ssyncadd.s32 $0xFFFFC000  }
0x95: {  	[tilespmem:s3], [sflag:$0x2] =	stream.linear.gather [hbm4b:s21+s3], $0x80, $0x38;
	[tilespmem:$0x4080] =	vst v63  }
0x96: {  	_ =	swait.ge [sflag:s4], $0x80  }
0x97: {  	[sflag:s4] =	ssyncset.done $0x0  }
0x98: {  	[sflag:s4] =	ssyncadd.s32 $0xFFFFFF80  }
0x99: {  	[tilespmem:s5], [sflag:$0x1] =	stream.indirect.gather [hbm4b:s2+s5], $0x80, s3, s5, $0xb8;
	[tilespmem:$0x4080] =	vst v63  }
0x9a: {  	_ =	swait.ge [sflag:s6], $0x4000  }
0x9b: {  	s22 =	sshll.u32 s22, $0x4;
	[sflag:s6] =	ssyncset.done $0x0  }
0x9c: {  	s22 =	sadd.s32 s0, s22;
	[sflag:s6] =	ssyncadd.s32 $0xFFFFC000  }
0x9d: {  	[hbm4b:s22+s3] =	stream.linear.scatter [tilespmem:s5], [sflag:$0x2], $0x4000, $0x38;
	[tilespmem:$0x4080] =	vst v63  }
0x9e: {  	s24 =	sor.u32 $0x600, s1;
	_ =	swait.ge [sflag:s4], $0x4000  }
0x9f: {  	s23 =	sshrl.u32 s24, $0x3;
	[sflag:s4] =	ssyncset.done $0x0  }
0xa0: {  	s23 =	sadd.s32 s30, s23;
	[sflag:s4] =	ssyncadd.s32 $0xFFFFC000  }
0xa1: {  	[tilespmem:s3], [sflag:$0x2] =	stream.linear.gather [hbm4b:s23+s3], $0x80, $0x38;
	[tilespmem:$0x4080] =	vst v63  }
0xa2: {  	_ =	swait.ge [sflag:s4], $0x80  }
0xa3: {  	[sflag:s4] =	ssyncset.done $0x0  }
0xa4: {  	[sflag:s4] =	ssyncadd.s32 $0xFFFFFF80  }
0xa5: {  	[tilespmem:s5], [sflag:$0x1] =	stream.indirect.gather [hbm4b:s2+s5], $0x80, s3, s5, $0xb8;
	[tilespmem:$0x4080] =	vst v63  }
0xa6: {  	_ =	swait.ge [sflag:s6], $0x4000  }
0xa7: {  	s24 =	sshll.u32 s24, $0x4;
	[sflag:s6] =	ssyncset.done $0x0  }
0xa8: {  	s24 =	sadd.s32 s0, s24;
	[sflag:s6] =	ssyncadd.s32 $0xFFFFC000  }
0xa9: {  	[hbm4b:s24+s3] =	stream.linear.scatter [tilespmem:s5], [sflag:$0x2], $0x4000, $0x38;
	[tilespmem:$0x4080] =	vst v63  }
0xaa: {  	s26 =	sor.u32 $0x680, s1;
	_ =	swait.ge [sflag:s4], $0x4000  }
0xab: {  	s25 =	sshrl.u32 s26, $0x3;
	[sflag:s4] =	ssyncset.done $0x0  }
0xac: {  	s25 =	sadd.s32 s30, s25;
	[sflag:s4] =	ssyncadd.s32 $0xFFFFC000  }
0xad: {  	[tilespmem:s3], [sflag:$0x2] =	stream.linear.gather [hbm4b:s25+s3], $0x80, $0x38;
	[tilespmem:$0x4080] =	vst v63  }
0xae: {  	_ =	swait.ge [sflag:s4], $0x80  }
0xaf: {  	[sflag:s4] =	ssyncset.done $0x0  }
0xb0: {  	[sflag:s4] =	ssyncadd.s32 $0xFFFFFF80  }
0xb1: {  	[tilespmem:s5], [sflag:$0x1] =	stream.indirect.gather [hbm4b:s2+s5], $0x80, s3, s5, $0xb8;
	[tilespmem:$0x4080] =	vst v63  }
0xb2: {  	_ =	swait.ge [sflag:s6], $0x4000  }
0xb3: {  	s26 =	sshll.u32 s26, $0x4;
	[sflag:s6] =	ssyncset.done $0x0  }
0xb4: {  	s26 =	sadd.s32 s0, s26;
	[sflag:s6] =	ssyncadd.s32 $0xFFFFC000  }
0xb5: {  	[hbm4b:s26+s3] =	stream.linear.scatter [tilespmem:s5], [sflag:$0x2], $0x4000, $0x38;
	[tilespmem:$0x4080] =	vst v63  }
0xb6: {  	s29 =	sor.u32 $0x700, s1;
	_ =	swait.ge [sflag:s4], $0x4000  }
0xb7: {  	s28 =	sshrl.u32 s29, $0x3;
	[sflag:s4] =	ssyncset.done $0x0  }
0xb8: {  	s28 =	sadd.s32 s30, s28;
	[sflag:s4] =	ssyncadd.s32 $0xFFFFC000  }
0xb9: {  	[tilespmem:s3], [sflag:$0x2] =	stream.linear.gather [hbm4b:s28+s3], $0x80, $0x38;
	[tilespmem:$0x4080] =	vst v63  }
0xba: {  	_ =	swait.ge [sflag:s4], $0x80  }
0xbb: {  	[sflag:s4] =	ssyncset.done $0x0  }
0xbc: {  	[sflag:s4] =	ssyncadd.s32 $0xFFFFFF80  }
0xbd: {  	[tilespmem:s5], [sflag:$0x1] =	stream.indirect.gather [hbm4b:s2+s5], $0x80, s3, s5, $0xb8;
	[tilespmem:$0x4080] =	vst v63  }
0xbe: {  	_ =	swait.ge [sflag:s6], $0x4000  }
0xbf: {  	s29 =	sshll.u32 s29, $0x4;
	[sflag:s6] =	ssyncset.done $0x0  }
0xc0: {  	s29 =	sadd.s32 s0, s29;
	[sflag:s6] =	ssyncadd.s32 $0xFFFFC000  }
0xc1: {  	[hbm4b:s29+s3] =	stream.linear.scatter [tilespmem:s5], [sflag:$0x2], $0x4000, $0x38;
	[tilespmem:$0x4080] =	vst v63  }
0xc2: {  	s1 =	sor.u32 $0x780, s1;
	_ =	swait.ge [sflag:s4], $0x4000  }
0xc3: {  	s31 =	sshrl.u32 s1, $0x3;
	[sflag:s4] =	ssyncset.done $0x0  }
0xc4: {  	s30 =	sadd.s32 s30, s31;
	[sflag:s4] =	ssyncadd.s32 $0xFFFFC000  }
0xc5: {  	[tilespmem:s3], [sflag:$0x2] =	stream.linear.gather [hbm4b:s30+s3], $0x80, $0x38;
	[tilespmem:$0x4080] =	vst v63  }
0xc6: {  	_ =	swait.ge [sflag:s4], $0x80  }
0xc7: {  	[sflag:s4] =	ssyncset.done $0x0;
	s0 =	rddreg [dreg:$0xb]  }
0xc8: {  	s31 =	ssub.s32 $0x2, s0;
	[sflag:s4] =	ssyncadd.s32 $0xFFFFFF80  }
0xc9: {  	[tilespmem:s5], [sflag:$0x1] =	stream.indirect.gather [hbm4b:s2+s5], $0x80, s3, s5, $0xb8;
	[tilespmem:$0x4080] =	vst v63  }
0xca: {  	s0 =	sshrl.u32 s31, $0x1  }
0xcb: {  	s0 =	ssub.s32 s31, s0  }
0xcc: {  	s0 =	smax.u32 s0, $0x1  }
0xcd: {  	p0 =	sne.s32 s0, $0x1  }
.Ltmp0:
0xce: {  	_ =	swait.ge [sflag:s6], $0x4000;
	(pc) =	sbr.rel @!p0 .LBB2_2-.Ltmp0, $4  }
0xcf: {  	s1 =	sshll.u32 s1, $0x4;
	[sflag:s6] =	ssyncset.done $0x0;
	s31 =	rddreg [dreg:$0xc]  }
0xd0: {  	s31 =	sadd.s32 s31, s1;
	[sflag:s6] =	ssyncadd.s32 $0xFFFFC000  }
0xd1: {  	[hbm4b:s31+s3] =	stream.linear.scatter [tilespmem:s5], [sflag:$0x2], $0x4000, $0x38;
	[tilespmem:$0x4080] =	vst v63  }
0xd2: {  	s0 =	sadd.s32 $0xFFFFFFFF, s0;
	_ =	swait.ge [sflag:s4], $0x4000  }
.LBB2_1:
0xd3: {  	[sflag:s4] =	ssyncset.done $0x0  }
0xd4: {  	s1 =	rddreg [dreg:$0x3];
	[sflag:s4] =	ssyncadd.s32 $0xFFFFC000  }
0xd5: {  	[tilespmem:s3], [sflag:$0x2] =	stream.linear.gather [hbm4b:s1+s3], $0x80, $0x38;
	[tilespmem:$0x4080] =	vst v63  }
0xd6: {  	_ =	swait.ge [sflag:s4], $0x80  }
0xd7: {  	[sflag:s4] =	ssyncset.done $0x0  }
0xd8: {  	[sflag:s4] =	ssyncadd.s32 $0xFFFFFF80  }
0xd9: {  	[tilespmem:s5], [sflag:$0x1] =	stream.indirect.gather [hbm4b:s2+s5], $0x80, s3, s5, $0xb8;
	[tilespmem:$0x4080] =	vst v63  }
0xda: {  	_ =	swait.ge [sflag:s6], $0x4000  }
0xdb: {  	[sflag:s6] =	ssyncset.done $0x0  }
0xdc: {  	s1 =	rddreg [dreg:$0x4];
	[sflag:s6] =	ssyncadd.s32 $0xFFFFC000  }
0xdd: {  	[hbm4b:s1+s3] =	stream.linear.scatter [tilespmem:s5], [sflag:$0x2], $0x4000, $0x38;
	[tilespmem:$0x4080] =	vst v63  }
0xde: {  	_ =	swait.ge [sflag:s4], $0x4000  }
0xdf: {  	[sflag:s4] =	ssyncset.done $0x0  }
0xe0: {  	s1 =	rddreg [dreg:$0x5];
	[sflag:s4] =	ssyncadd.s32 $0xFFFFC000  }
0xe1: {  	[tilespmem:s3], [sflag:$0x2] =	stream.linear.gather [hbm4b:s1+s3], $0x80, $0x38;
	[tilespmem:$0x4080] =	vst v63  }
0xe2: {  	_ =	swait.ge [sflag:s4], $0x80  }
0xe3: {  	[sflag:s4] =	ssyncset.done $0x0  }
0xe4: {  	[sflag:s4] =	ssyncadd.s32 $0xFFFFFF80  }
0xe5: {  	[tilespmem:s5], [sflag:$0x1] =	stream.indirect.gather [hbm4b:s2+s5], $0x80, s3, s5, $0xb8;
	[tilespmem:$0x4080] =	vst v63  }
0xe6: {  	_ =	swait.ge [sflag:s6], $0x4000  }
0xe7: {  	[sflag:s6] =	ssyncset.done $0x0  }
0xe8: {  	s1 =	rddreg [dreg:$0x6];
	[sflag:s6] =	ssyncadd.s32 $0xFFFFC000  }
0xe9: {  	[hbm4b:s1+s3] =	stream.linear.scatter [tilespmem:s5], [sflag:$0x2], $0x4000, $0x38;
	[tilespmem:$0x4080] =	vst v63  }
0xea: {  	_ =	swait.ge [sflag:s4], $0x4000  }
0xeb: {  	[sflag:s4] =	ssyncset.done $0x0  }
0xec: {  	s1 =	rddreg [dreg:$0x7];
	[sflag:s4] =	ssyncadd.s32 $0xFFFFC000  }
0xed: {  	[tilespmem:s3], [sflag:$0x2] =	stream.linear.gather [hbm4b:s1+s3], $0x80, $0x38;
	[tilespmem:$0x4080] =	vst v63  }
0xee: {  	_ =	swait.ge [sflag:s4], $0x80  }
0xef: {  	[sflag:s4] =	ssyncset.done $0x0  }
0xf0: {  	[sflag:s4] =	ssyncadd.s32 $0xFFFFFF80  }
0xf1: {  	[tilespmem:s5], [sflag:$0x1] =	stream.indirect.gather [hbm4b:s2+s5], $0x80, s3, s5, $0xb8;
	[tilespmem:$0x4080] =	vst v63  }
0xf2: {  	_ =	swait.ge [sflag:s6], $0x4000  }
0xf3: {  	[sflag:s6] =	ssyncset.done $0x0  }
0xf4: {  	s1 =	rddreg [dreg:$0x8];
	[sflag:s6] =	ssyncadd.s32 $0xFFFFC000  }
0xf5: {  	[hbm4b:s1+s3] =	stream.linear.scatter [tilespmem:s5], [sflag:$0x2], $0x4000, $0x38;
	[tilespmem:$0x4080] =	vst v63  }
0xf6: {  	_ =	swait.ge [sflag:s4], $0x4000  }
0xf7: {  	[sflag:s4] =	ssyncset.done $0x0  }
0xf8: {  	s1 =	rddreg [dreg:$0x9];
	[sflag:s4] =	ssyncadd.s32 $0xFFFFC000  }
0xf9: {  	[tilespmem:s3], [sflag:$0x2] =	stream.linear.gather [hbm4b:s1+s3], $0x80, $0x38;
	[tilespmem:$0x4080] =	vst v63  }
0xfa: {  	_ =	swait.ge [sflag:s4], $0x80  }
0xfb: {  	[sflag:s4] =	ssyncset.done $0x0  }
0xfc: {  	[sflag:s4] =	ssyncadd.s32 $0xFFFFFF80  }
0xfd: {  	[tilespmem:s5], [sflag:$0x1] =	stream.indirect.gather [hbm4b:s2+s5], $0x80, s3, s5, $0xb8;
	[tilespmem:$0x4080] =	vst v63  }
0xfe: {  	_ =	swait.ge [sflag:s6], $0x4000  }
0xff: {  	[sflag:s6] =	ssyncset.done $0x0  }
0x100: {  	s1 =	rddreg [dreg:$0xa];
	[sflag:s6] =	ssyncadd.s32 $0xFFFFC000  }
0x101: {  	[hbm4b:s1+s3] =	stream.linear.scatter [tilespmem:s5], [sflag:$0x2], $0x4000, $0x38;
	[tilespmem:$0x4080] =	vst v63  }
0x102: {  	_ =	swait.ge [sflag:s4], $0x4000  }
0x103: {  	[sflag:s4] =	ssyncset.done $0x0  }
0x104: {  	[sflag:s4] =	ssyncadd.s32 $0xFFFFC000  }
0x105: {  	[tilespmem:s3], [sflag:$0x2] =	stream.linear.gather [hbm4b:s7+s3], $0x80, $0x38;
	[tilespmem:$0x4080] =	vst v63  }
0x106: {  	_ =	swait.ge [sflag:s4], $0x80  }
0x107: {  	[sflag:s4] =	ssyncset.done $0x0  }
0x108: {  	[sflag:s4] =	ssyncadd.s32 $0xFFFFFF80  }
0x109: {  	[tilespmem:s5], [sflag:$0x1] =	stream.indirect.gather [hbm4b:s2+s5], $0x80, s3, s5, $0xb8;
	[tilespmem:$0x4080] =	vst v63  }
0x10a: {  	_ =	swait.ge [sflag:s6], $0x4000  }
0x10b: {  	[sflag:s6] =	ssyncset.done $0x0  }
0x10c: {  	[sflag:s6] =	ssyncadd.s32 $0xFFFFC000  }
0x10d: {  	[hbm4b:s8+s3] =	stream.linear.scatter [tilespmem:s5], [sflag:$0x2], $0x4000, $0x38;
	[tilespmem:$0x4080] =	vst v63  }
0x10e: {  	_ =	swait.ge [sflag:s4], $0x4000  }
0x10f: {  	[sflag:s4] =	ssyncset.done $0x0  }
0x110: {  	[sflag:s4] =	ssyncadd.s32 $0xFFFFC000  }
0x111: {  	[tilespmem:s3], [sflag:$0x2] =	stream.linear.gather [hbm4b:s9+s3], $0x80, $0x38;
	[tilespmem:$0x4080] =	vst v63  }
0x112: {  	_ =	swait.ge [sflag:s4], $0x80  }
0x113: {  	[sflag:s4] =	ssyncset.done $0x0  }
0x114: {  	[sflag:s4] =	ssyncadd.s32 $0xFFFFFF80  }
0x115: {  	[tilespmem:s5], [sflag:$0x1] =	stream.indirect.gather [hbm4b:s2+s5], $0x80, s3, s5, $0xb8;
	[tilespmem:$0x4080] =	vst v63  }
0x116: {  	_ =	swait.ge [sflag:s6], $0x4000  }
0x117: {  	[sflag:s6] =	ssyncset.done $0x0  }
0x118: {  	[sflag:s6] =	ssyncadd.s32 $0xFFFFC000  }
0x119: {  	[hbm4b:s10+s3] =	stream.linear.scatter [tilespmem:s5], [sflag:$0x2], $0x4000, $0x38;
	[tilespmem:$0x4080] =	vst v63  }
0x11a: {  	_ =	swait.ge [sflag:s4], $0x4000  }
0x11b: {  	[sflag:s4] =	ssyncset.done $0x0  }
0x11c: {  	[sflag:s4] =	ssyncadd.s32 $0xFFFFC000  }
0x11d: {  	[tilespmem:s3], [sflag:$0x2] =	stream.linear.gather [hbm4b:s11+s3], $0x80, $0x38;
	[tilespmem:$0x4080] =	vst v63  }
0x11e: {  	_ =	swait.ge [sflag:s4], $0x80  }
0x11f: {  	[sflag:s4] =	ssyncset.done $0x0  }
0x120: {  	[sflag:s4] =	ssyncadd.s32 $0xFFFFFF80  }
0x121: {  	[tilespmem:s5], [sflag:$0x1] =	stream.indirect.gather [hbm4b:s2+s5], $0x80, s3, s5, $0xb8;
	[tilespmem:$0x4080] =	vst v63  }
0x122: {  	_ =	swait.ge [sflag:s6], $0x4000  }
0x123: {  	[sflag:s6] =	ssyncset.done $0x0  }
0x124: {  	[sflag:s6] =	ssyncadd.s32 $0xFFFFC000  }
0x125: {  	[hbm4b:s12+s3] =	stream.linear.scatter [tilespmem:s5], [sflag:$0x2], $0x4000, $0x38;
	[tilespmem:$0x4080] =	vst v63  }
0x126: {  	_ =	swait.ge [sflag:s4], $0x4000  }
0x127: {  	[sflag:s4] =	ssyncset.done $0x0  }
0x128: {  	[sflag:s4] =	ssyncadd.s32 $0xFFFFC000  }
0x129: {  	[tilespmem:s3], [sflag:$0x2] =	stream.linear.gather [hbm4b:s13+s3], $0x80, $0x38;
	[tilespmem:$0x4080] =	vst v63  }
0x12a: {  	_ =	swait.ge [sflag:s4], $0x80  }
0x12b: {  	[sflag:s4] =	ssyncset.done $0x0  }
0x12c: {  	[sflag:s4] =	ssyncadd.s32 $0xFFFFFF80  }
0x12d: {  	[tilespmem:s5], [sflag:$0x1] =	stream.indirect.gather [hbm4b:s2+s5], $0x80, s3, s5, $0xb8;
	[tilespmem:$0x4080] =	vst v63  }
0x12e: {  	_ =	swait.ge [sflag:s6], $0x4000  }
0x12f: {  	[sflag:s6] =	ssyncset.done $0x0  }
0x130: {  	[sflag:s6] =	ssyncadd.s32 $0xFFFFC000  }
0x131: {  	[hbm4b:s14+s3] =	stream.linear.scatter [tilespmem:s5], [sflag:$0x2], $0x4000, $0x38;
	[tilespmem:$0x4080] =	vst v63  }
0x132: {  	_ =	swait.ge [sflag:s4], $0x4000  }
0x133: {  	[sflag:s4] =	ssyncset.done $0x0  }
0x134: {  	[sflag:s4] =	ssyncadd.s32 $0xFFFFC000  }
0x135: {  	[tilespmem:s3], [sflag:$0x2] =	stream.linear.gather [hbm4b:s15+s3], $0x80, $0x38;
	[tilespmem:$0x4080] =	vst v63  }
0x136: {  	_ =	swait.ge [sflag:s4], $0x80  }
0x137: {  	[sflag:s4] =	ssyncset.done $0x0  }
0x138: {  	[sflag:s4] =	ssyncadd.s32 $0xFFFFFF80  }
0x139: {  	[tilespmem:s5], [sflag:$0x1] =	stream.indirect.gather [hbm4b:s2+s5], $0x80, s3, s5, $0xb8;
	[tilespmem:$0x4080] =	vst v63  }
0x13a: {  	_ =	swait.ge [sflag:s6], $0x4000  }
0x13b: {  	[sflag:s6] =	ssyncset.done $0x0  }
0x13c: {  	[sflag:s6] =	ssyncadd.s32 $0xFFFFC000  }
0x13d: {  	[hbm4b:s16+s3] =	stream.linear.scatter [tilespmem:s5], [sflag:$0x2], $0x4000, $0x38;
	[tilespmem:$0x4080] =	vst v63  }
0x13e: {  	_ =	swait.ge [sflag:s4], $0x4000  }
0x13f: {  	[sflag:s4] =	ssyncset.done $0x0  }
0x140: {  	[sflag:s4] =	ssyncadd.s32 $0xFFFFC000  }
0x141: {  	[tilespmem:s3], [sflag:$0x2] =	stream.linear.gather [hbm4b:s17+s3], $0x80, $0x38;
	[tilespmem:$0x4080] =	vst v63  }
0x142: {  	_ =	swait.ge [sflag:s4], $0x80  }
0x143: {  	[sflag:s4] =	ssyncset.done $0x0  }
0x144: {  	[sflag:s4] =	ssyncadd.s32 $0xFFFFFF80  }
0x145: {  	[tilespmem:s5], [sflag:$0x1] =	stream.indirect.gather [hbm4b:s2+s5], $0x80, s3, s5, $0xb8;
	[tilespmem:$0x4080] =	vst v63  }
0x146: {  	_ =	swait.ge [sflag:s6], $0x4000  }
0x147: {  	[sflag:s6] =	ssyncset.done $0x0  }
0x148: {  	[sflag:s6] =	ssyncadd.s32 $0xFFFFC000  }
0x149: {  	[hbm4b:s18+s3] =	stream.linear.scatter [tilespmem:s5], [sflag:$0x2], $0x4000, $0x38;
	[tilespmem:$0x4080] =	vst v63  }
0x14a: {  	_ =	swait.ge [sflag:s4], $0x4000  }
0x14b: {  	[sflag:s4] =	ssyncset.done $0x0  }
0x14c: {  	[sflag:s4] =	ssyncadd.s32 $0xFFFFC000  }
0x14d: {  	[tilespmem:s3], [sflag:$0x2] =	stream.linear.gather [hbm4b:s19+s3], $0x80, $0x38;
	[tilespmem:$0x4080] =	vst v63  }
0x14e: {  	_ =	swait.ge [sflag:s4], $0x80  }
0x14f: {  	[sflag:s4] =	ssyncset.done $0x0  }
0x150: {  	[sflag:s4] =	ssyncadd.s32 $0xFFFFFF80  }
0x151: {  	[tilespmem:s5], [sflag:$0x1] =	stream.indirect.gather [hbm4b:s2+s5], $0x80, s3, s5, $0xb8;
	[tilespmem:$0x4080] =	vst v63  }
0x152: {  	_ =	swait.ge [sflag:s6], $0x4000  }
0x153: {  	[sflag:s6] =	ssyncset.done $0x0  }
0x154: {  	[sflag:s6] =	ssyncadd.s32 $0xFFFFC000  }
0x155: {  	[hbm4b:s20+s3] =	stream.linear.scatter [tilespmem:s5], [sflag:$0x2], $0x4000, $0x38;
	[tilespmem:$0x4080] =	vst v63  }
0x156: {  	_ =	swait.ge [sflag:s4], $0x4000  }
0x157: {  	[sflag:s4] =	ssyncset.done $0x0  }
0x158: {  	[sflag:s4] =	ssyncadd.s32 $0xFFFFC000  }
0x159: {  	[tilespmem:s3], [sflag:$0x2] =	stream.linear.gather [hbm4b:s21+s3], $0x80, $0x38;
	[tilespmem:$0x4080] =	vst v63  }
0x15a: {  	_ =	swait.ge [sflag:s4], $0x80  }
0x15b: {  	[sflag:s4] =	ssyncset.done $0x0  }
0x15c: {  	[sflag:s4] =	ssyncadd.s32 $0xFFFFFF80  }
0x15d: {  	[tilespmem:s5], [sflag:$0x1] =	stream.indirect.gather [hbm4b:s2+s5], $0x80, s3, s5, $0xb8;
	[tilespmem:$0x4080] =	vst v63  }
0x15e: {  	_ =	swait.ge [sflag:s6], $0x4000  }
0x15f: {  	[sflag:s6] =	ssyncset.done $0x0  }
0x160: {  	[sflag:s6] =	ssyncadd.s32 $0xFFFFC000  }
0x161: {  	[hbm4b:s22+s3] =	stream.linear.scatter [tilespmem:s5], [sflag:$0x2], $0x4000, $0x38;
	[tilespmem:$0x4080] =	vst v63  }
0x162: {  	_ =	swait.ge [sflag:s4], $0x4000  }
0x163: {  	[sflag:s4] =	ssyncset.done $0x0  }
0x164: {  	[sflag:s4] =	ssyncadd.s32 $0xFFFFC000  }
0x165: {  	[tilespmem:s3], [sflag:$0x2] =	stream.linear.gather [hbm4b:s23+s3], $0x80, $0x38;
	[tilespmem:$0x4080] =	vst v63  }
0x166: {  	_ =	swait.ge [sflag:s4], $0x80  }
0x167: {  	[sflag:s4] =	ssyncset.done $0x0  }
0x168: {  	[sflag:s4] =	ssyncadd.s32 $0xFFFFFF80  }
0x169: {  	[tilespmem:s5], [sflag:$0x1] =	stream.indirect.gather [hbm4b:s2+s5], $0x80, s3, s5, $0xb8;
	[tilespmem:$0x4080] =	vst v63  }
0x16a: {  	_ =	swait.ge [sflag:s6], $0x4000  }
0x16b: {  	[sflag:s6] =	ssyncset.done $0x0  }
0x16c: {  	[sflag:s6] =	ssyncadd.s32 $0xFFFFC000  }
0x16d: {  	[hbm4b:s24+s3] =	stream.linear.scatter [tilespmem:s5], [sflag:$0x2], $0x4000, $0x38;
	[tilespmem:$0x4080] =	vst v63  }
0x16e: {  	_ =	swait.ge [sflag:s4], $0x4000  }
0x16f: {  	[sflag:s4] =	ssyncset.done $0x0  }
0x170: {  	[sflag:s4] =	ssyncadd.s32 $0xFFFFC000  }
0x171: {  	[tilespmem:s3], [sflag:$0x2] =	stream.linear.gather [hbm4b:s25+s3], $0x80, $0x38;
	[tilespmem:$0x4080] =	vst v63  }
0x172: {  	_ =	swait.ge [sflag:s4], $0x80  }
0x173: {  	[sflag:s4] =	ssyncset.done $0x0  }
0x174: {  	[sflag:s4] =	ssyncadd.s32 $0xFFFFFF80  }
0x175: {  	[tilespmem:s5], [sflag:$0x1] =	stream.indirect.gather [hbm4b:s2+s5], $0x80, s3, s5, $0xb8;
	[tilespmem:$0x4080] =	vst v63  }
0x176: {  	_ =	swait.ge [sflag:s6], $0x4000  }
0x177: {  	[sflag:s6] =	ssyncset.done $0x0  }
0x178: {  	[sflag:s6] =	ssyncadd.s32 $0xFFFFC000  }
0x179: {  	[hbm4b:s26+s3] =	stream.linear.scatter [tilespmem:s5], [sflag:$0x2], $0x4000, $0x38;
	[tilespmem:$0x4080] =	vst v63  }
0x17a: {  	_ =	swait.ge [sflag:s4], $0x4000  }
0x17b: {  	[sflag:s4] =	ssyncset.done $0x0  }
0x17c: {  	[sflag:s4] =	ssyncadd.s32 $0xFFFFC000  }
0x17d: {  	[tilespmem:s3], [sflag:$0x2] =	stream.linear.gather [hbm4b:s28+s3], $0x80, $0x38;
	[tilespmem:$0x4080] =	vst v63  }
0x17e: {  	_ =	swait.ge [sflag:s4], $0x80  }
0x17f: {  	[sflag:s4] =	ssyncset.done $0x0  }
0x180: {  	[sflag:s4] =	ssyncadd.s32 $0xFFFFFF80  }
0x181: {  	[tilespmem:s5], [sflag:$0x1] =	stream.indirect.gather [hbm4b:s2+s5], $0x80, s3, s5, $0xb8;
	[tilespmem:$0x4080] =	vst v63  }
0x182: {  	_ =	swait.ge [sflag:s6], $0x4000  }
0x183: {  	[sflag:s6] =	ssyncset.done $0x0  }
0x184: {  	[sflag:s6] =	ssyncadd.s32 $0xFFFFC000  }
0x185: {  	[hbm4b:s29+s3] =	stream.linear.scatter [tilespmem:s5], [sflag:$0x2], $0x4000, $0x38;
	[tilespmem:$0x4080] =	vst v63  }
0x186: {  	_ =	swait.ge [sflag:s4], $0x4000  }
0x187: {  	[sflag:s4] =	ssyncset.done $0x0  }
0x188: {  	[sflag:s4] =	ssyncadd.s32 $0xFFFFC000  }
0x189: {  	[tilespmem:s3], [sflag:$0x2] =	stream.linear.gather [hbm4b:s30+s3], $0x80, $0x38;
	[tilespmem:$0x4080] =	vst v63  }
0x18a: {  	_ =	swait.ge [sflag:s4], $0x80  }
0x18b: {  	[sflag:s4] =	ssyncset.done $0x0  }
0x18c: {  	p0 =	sne.s32 s0, $0x1;
	[sflag:s4] =	ssyncadd.s32 $0xFFFFFF80  }
0x18d: {  	[tilespmem:s5], [sflag:$0x1] =	stream.indirect.gather [hbm4b:s2+s5], $0x80, s3, s5, $0xb8;
	[tilespmem:$0x4080] =	vst v63  }
.Ltmp1:
0x18e: {  	_ =	swait.ge [sflag:s6], $0x4000;
	(pc) =	sbr.rel @p0 .LBB2_1-.Ltmp1, $4  }
0x18f: {  	[sflag:s6] =	ssyncset.done $0x0  }
0x190: {  	[sflag:s6] =	ssyncadd.s32 $0xFFFFC000  }
0x191: {  	[hbm4b:s31+s3] =	stream.linear.scatter [tilespmem:s5], [sflag:$0x2], $0x4000, $0x38;
	[tilespmem:$0x4080] =	vst v63  }
0x192: {  	s0 =	sadd.s32 $0xFFFFFFFF, s0;
	_ =	swait.ge [sflag:s4], $0x4000  }
.LBB2_2:
0x193: {  	[sflag:s4] =	ssyncset.done $0x0  }
0x194: {  	[sflag:s4] =	ssyncadd.s32 $0xFFFFC000  }
0x195: {  	_ =	sfence.sel $0x180000  }
0x196: {  	[bflag:$0x0] =	sbarrier.arrive $0xFFFF  }
0x197: {  	_ =	strace $0x90000047  }
0x198: {  	s0 =	stileid.u32;
	[bflag:$0x2] =	sbarrier.arrive $0xFFFF  }
0x199: {  	p0 =	sne.s32 s0, $0x0;
	s0 =	rddreg [dreg:$0x2]  }
0x19a: {  	s0 =	sadd.s32 @!p0 $0x100000, s0  }
0x19b: {  	[sflag:s0] =	ssyncadd.tile.s32 @!p0 $0x1;
	_ =	shalt  }
.Lfunc_end2:
_tile_overlayer_lowered:
.L_overlay_start_2:
0x19c: {  	(tag) =	ssettag $0x2  }
0x19d: {  	s0 =	rddreg [dreg:$0x0];
	s2 =	stileid.u32  }
0x19e: {  	s1 =	rddreg [dreg:$0x1];
	p0 =	sne.s32 s2, $0x0  }
0x19f: {  	s3 =	rddreg [dreg:$0x2];
	[bflag:$0x3] =	sbarrier.arrive $0xFFFF;
	s2 =	simm.s32 @!p0 $0x1C02  }
0x1a0: {  	[timem:s3], [sflag:s2] =	dma.local @!p0 [hbm:s0], s1  }
0x1a1: {  	s0 =	simm.s32 @!p0 $0x2  }
0x1a2: {  	_ =	swait.ge @!p0 [sflag:s0], s1  }
0x1a3: {  	s1 =	ssub.s32 @!p0 $0x0, s1;
	[sflag:s0] =	ssyncset.done @!p0 $0x0  }
0x1a4: {  	[sflag:s0] =	ssyncadd.s32 @!p0 s1  }
0x1a5: {  	[bflag:$0x3] =	sbarrier.arrive $0xFFFF  }
0x1a6: {  	_ =	shalt  }

</sc_bundles>
